<compile_context>
chip_gen: v7x
topology: tpu7x:2x2x1
jax: 0.10.2.dev20260603
libtpu: 0.0.44.dev20260713+nightly
codegen_flags: <defaults>
</compile_context>

<pallas_src>
import functools

import jax
import jax.numpy as jnp
from jax import lax
from jax.experimental import pallas as pl
from jax.experimental.pallas import tpu as pltpu
from jax.experimental.pallas import tpu_sc as plsc

VOCAB = 100000
HIDDEN = 2048
N_TOKENS = 4 * 4096

NUM_CORES = 2
NUM_SUBCORES = 16
NW = NUM_CORES * NUM_SUBCORES
PER_W = N_TOKENS // NW
CHUNK = 8
NCHUNK = PER_W // CHUNK
NBUF = 4
NROUNDS = NCHUNK // NBUF
LOOKAHEAD = 3

_mesh = plsc.VectorSubcoreMesh(core_axis_name="c", subcore_axis_name="s")


@functools.partial(
    pl.kernel,
    out_type=jax.ShapeDtypeStruct((N_TOKENS, HIDDEN), jnp.float32),
    mesh=_mesh,
    scratch_types=[
        pltpu.VMEM((PER_W,), jnp.int32),
        [pltpu.VMEM((CHUNK, HIDDEN), jnp.float32) for _ in range(NBUF)],
        pltpu.VMEM_SHARED((NUM_SUBCORES, 2, CHUNK, HIDDEN), jnp.float32),
        [pltpu.SemaphoreType.DMA for _ in range(NBUF)],
        [pltpu.SemaphoreType.DMA for _ in range(NBUF)],
        [pltpu.SemaphoreType.DMA for _ in range(2)],
    ],
)
def _gather_kernel(ids_hbm, table_hbm, out_hbm, idx_v, bufs, sp, gsems,
                   h1sems, ssems):
    cid = lax.axis_index("c")
    sid = lax.axis_index("s")
    wid = sid * NUM_CORES + cid
    base = wid * PER_W
    pltpu.sync_copy(ids_hbm.at[pl.ds(base, PER_W)], idx_v)

    def start_gather(g, b):
        pltpu.async_copy(
            table_hbm.at[idx_v.at[pl.ds(g * CHUNK, CHUNK)]], bufs[b], gsems[b]
        )

    def wait_gather(b):
        pltpu.make_async_copy(
            table_hbm.at[idx_v.at[pl.ds(0, CHUNK)]], bufs[b], gsems[b]
        ).wait()

    def start_hop1(b):
        pltpu.async_copy(bufs[b], sp.at[sid, b % 2], h1sems[b])

    def wait_hop1(b):
        pltpu.make_async_copy(bufs[b], sp.at[sid, b % 2], h1sems[b]).wait()

    def start_hop2(g, b):
        pltpu.async_copy(sp.at[sid, b % 2],
                         out_hbm.at[pl.ds(base + g * CHUNK, CHUNK)],
                         ssems[b % 2])

    def wait_hop2(b):
        pltpu.make_async_copy(
            sp.at[sid, b % 2], out_hbm.at[pl.ds(base, CHUNK)], ssems[b % 2]
        ).wait()

    for g in range(LOOKAHEAD):
        start_gather(g, g % NBUF)

    def round_body(i, carry):
        g0 = i * NBUF
        for b in range(NBUF):
            g = g0 + b
            bp = (b - 1) % NBUF
            ga = g + LOOKAHEAD
            ba = (b + LOOKAHEAD) % NBUF

            @pl.when(g >= 1)
            def _():
                wait_hop1(bp)
                start_hop2(g - 1, bp)

            @pl.when(ga < NCHUNK)
            def _():
                start_gather(ga, ba)

            @pl.when(g >= 2)
            def _():
                wait_hop2(b)

            wait_gather(b)
            start_hop1(b)
        return carry

    lax.fori_loop(0, NROUNDS, round_body, 0)

    bl = (NCHUNK - 1) % NBUF
    wait_hop1(bl)
    start_hop2(NCHUNK - 1, bl)
    wait_hop2(NCHUNK - 2)
    wait_hop2(NCHUNK - 1)


def kernel(input_ids, lookup_table):
    flat_ids = input_ids.reshape(N_TOKENS).astype(jnp.int32)
    out = _gather_kernel(flat_ids, lookup_table)
    return out.reshape(input_ids.shape + (HIDDEN,))

# --- scband reference (transcript-rebuilt; emitter-appended) ---
"""Pipeline reference for scband-llama-embedding-19971597927171 (READ-ONLY COPY).

The authoritative reference and input builder live on the scoring server;
editing this copy changes nothing except your own understanding.
"""

import jax, jax.numpy as jnp
import numpy as np

VOCAB = 100000
HIDDEN = 2048
BATCH = 4
SEQ = 4096


def setup_inputs(seed: int = 0) -> dict:
    key = jax.random.key(seed)
    k_ids, k_tab = jax.random.split(key)
    input_ids = jax.random.randint(k_ids, (BATCH, SEQ), 0, VOCAB, dtype=jnp.int64 if jax.config.jax_enable_x64 else jnp.int32)
    lookup_table = jax.random.normal(k_tab, (VOCAB, HIDDEN), dtype=jnp.float32) * 0.02
    return {"input_ids": input_ids, "lookup_table": lookup_table}


def reference(input_ids, lookup_table):
    # Faithful translation of: self.lookup_table[input_ids]
    return jnp.take(lookup_table, input_ids, axis=0)

if __name__ == "__main__":
    import jax
    _d = setup_inputs()
    print(jax.jit(kernel)(*tuple(_d.values())))

</pallas_src>

<mosaic_0001>
#map = affine_map<(d0, d1) -> (0)>
#map1 = affine_map<(d0, d1) -> (0, 0)>
module attributes {stable_mosaic.version = 14 : i64} {
  func.func @_gather_kernel(%arg0: i32, %arg1: i32, %arg2: memref<16384xi32, #tpu.memory_space<hbm>>, %arg3: memref<100000x2048xf32, #tpu.memory_space<hbm>>, %arg4: memref<16384x2048xf32, #tpu.memory_space<hbm>>, %arg5: memref<512xi32, #tpu.memory_space<vmem>>, %arg6: memref<8x2048xf32, #tpu.memory_space<vmem>>, %arg7: memref<8x2048xf32, #tpu.memory_space<vmem>>, %arg8: memref<8x2048xf32, #tpu.memory_space<vmem>>, %arg9: memref<8x2048xf32, #tpu.memory_space<vmem>>, %arg10: memref<16x2x8x2048xf32, #tpu.memory_space<vmem_shared>>, %arg11: memref<!tpu.dma_semaphore, #tpu.memory_space<semaphore_mem>>, %arg12: memref<!tpu.dma_semaphore, #tpu.memory_space<semaphore_mem>>, %arg13: memref<!tpu.dma_semaphore, #tpu.memory_space<semaphore_mem>>, %arg14: memref<!tpu.dma_semaphore, #tpu.memory_space<semaphore_mem>>, %arg15: memref<!tpu.dma_semaphore, #tpu.memory_space<semaphore_mem>>, %arg16: memref<!tpu.dma_semaphore, #tpu.memory_space<semaphore_mem>>, %arg17: memref<!tpu.dma_semaphore, #tpu.memory_space<semaphore_mem>>, %arg18: memref<!tpu.dma_semaphore, #tpu.memory_space<semaphore_mem>>, %arg19: memref<!tpu.dma_semaphore, #tpu.memory_space<semaphore_mem>>, %arg20: memref<!tpu.dma_semaphore, #tpu.memory_space<semaphore_mem>>) attributes {dimension_semantics = [#tpu.dimension_semantics<core_parallel>, #tpu.dimension_semantics<subcore_parallel>], iteration_bounds = array<i64: 2, 16>, scalar_prefetch = 0 : i64, scratch_operands = 16 : i64, tpu.core_type = #tpu.core_type<sc_vector_subcore>, window_params = [{transform_indices = #map}, {transform_indices = #map1}, {transform_indices = #map1}]} {
    %mul3A = arith.constant 2 : i32
    %mul3A_0 = arith.muli %arg1, %mul3A : i32
    %add3A = arith.addi %mul3A_0, %arg0 : i32
    %mul3A_1 = arith.constant 512 : i32
    %mul3A_2 = arith.muli %add3A, %mul3A_1 : i32
    "tpu.region"() ({
      %run_scoped3A = tpu.sem_alloc : memref<!tpu.dma_semaphore, #tpu.memory_space<semaphore_mem>>
      %dma_start3A_53 = tpu.memref_slice %arg2[%mul3A_2] : memref<16384xi32, #tpu.memory_space<hbm>> -> memref<512xi32, #tpu.memory_space<hbm>>
      %dma_start3A_54 = tpu.memref_slice %arg2[%mul3A_2] : memref<16384xi32, #tpu.memory_space<hbm>> -> memref<512xi32, #tpu.memory_space<hbm>>
      tpu.enqueue_dma source(%dma_start3A_54 : memref<512xi32, #tpu.memory_space<hbm>>) target(%arg5 : memref<512xi32, #tpu.memory_space<vmem>>) target_semaphore(%run_scoped3A : memref<!tpu.dma_semaphore, #tpu.memory_space<semaphore_mem>>)
      %dma_wait3A_55 = tpu.memref_slice %arg2[%mul3A_2] : memref<16384xi32, #tpu.memory_space<hbm>> -> memref<512xi32, #tpu.memory_space<hbm>>
      %dma_wait3A_56 = tpu.memref_slice %arg2[%mul3A_2] : memref<16384xi32, #tpu.memory_space<hbm>> -> memref<512xi32, #tpu.memory_space<hbm>>
      tpu.wait_dma2 semaphore(%run_scoped3A : memref<!tpu.dma_semaphore, #tpu.memory_space<semaphore_mem>>) src(%dma_wait3A_56 : memref<512xi32, #tpu.memory_space<hbm>>) dst(%arg5 : memref<512xi32, #tpu.memory_space<vmem>>)
      tpu.yield
    }) : () -> ()
    %dma_start3A = arith.constant 0 : i32
    %dma_start3A_3 = tpu.memref_slice %arg5[%dma_start3A] : memref<512xi32, #tpu.memory_space<vmem>> -> memref<8xi32, #tpu.memory_space<vmem>>
    %dma_start3A_4 = arith.constant 0 : i32
    %dma_start3A_5 = arith.constant 0 : i32
    %dma_start3A_6 = tpu.memref_slice %arg3[%dma_start3A_4, %dma_start3A_5] : memref<100000x2048xf32, #tpu.memory_space<hbm>> -> memref<100000x2048xf32, #tpu.memory_space<hbm>>
    tpu.enqueue_indirect_dma source(%dma_start3A_6 : memref<100000x2048xf32, #tpu.memory_space<hbm>>) target(%arg6 : memref<8x2048xf32, #tpu.memory_space<vmem>>) offsets(%dma_start3A_3 : memref<8xi32, #tpu.memory_space<vmem>>) semaphore(%arg11 : memref<!tpu.dma_semaphore, #tpu.memory_space<semaphore_mem>>)
    %dma_start3A_7 = arith.constant 8 : i32
    %dma_start3A_8 = tpu.memref_slice %arg5[%dma_start3A_7] : memref<512xi32, #tpu.memory_space<vmem>> -> memref<8xi32, #tpu.memory_space<vmem>>
    %dma_start3A_9 = arith.constant 0 : i32
    %dma_start3A_10 = arith.constant 0 : i32
    %dma_start3A_11 = tpu.memref_slice %arg3[%dma_start3A_9, %dma_start3A_10] : memref<100000x2048xf32, #tpu.memory_space<hbm>> -> memref<100000x2048xf32, #tpu.memory_space<hbm>>
    tpu.enqueue_indirect_dma source(%dma_start3A_11 : memref<100000x2048xf32, #tpu.memory_space<hbm>>) target(%arg7 : memref<8x2048xf32, #tpu.memory_space<vmem>>) offsets(%dma_start3A_8 : memref<8xi32, #tpu.memory_space<vmem>>) semaphore(%arg12 : memref<!tpu.dma_semaphore, #tpu.memory_space<semaphore_mem>>)
    %dma_start3A_12 = arith.constant 16 : i32
    %dma_start3A_13 = tpu.memref_slice %arg5[%dma_start3A_12] : memref<512xi32, #tpu.memory_space<vmem>> -> memref<8xi32, #tpu.memory_space<vmem>>
    %dma_start3A_14 = arith.constant 0 : i32
    %dma_start3A_15 = arith.constant 0 : i32
    %dma_start3A_16 = tpu.memref_slice %arg3[%dma_start3A_14, %dma_start3A_15] : memref<100000x2048xf32, #tpu.memory_space<hbm>> -> memref<100000x2048xf32, #tpu.memory_space<hbm>>
    tpu.enqueue_indirect_dma source(%dma_start3A_16 : memref<100000x2048xf32, #tpu.memory_space<hbm>>) target(%arg8 : memref<8x2048xf32, #tpu.memory_space<vmem>>) offsets(%dma_start3A_13 : memref<8xi32, #tpu.memory_space<vmem>>) semaphore(%arg13 : memref<!tpu.dma_semaphore, #tpu.memory_space<semaphore_mem>>)
    %scan3A = arith.constant 0 : i32
    %scan3A_17 = arith.constant 0 : i32
    %scan3A_18 = arith.constant 16 : i32
    %scan3A_19 = arith.addi %scan3A_17, %scan3A_18 : i32
    %scan3A_20 = arith.constant 1 : i32
    scf.for %scan3A_53 = %scan3A_17 to %scan3A_19 step %scan3A_20  : i32 {
      %mul3A_54 = arith.constant 4 : i32
      %mul3A_55 = arith.muli %scan3A_53, %mul3A_54 : i32
      %add3A_56 = arith.constant 0 : i32
      %add3A_57 = arith.addi %mul3A_55, %add3A_56 : i32
      %add3A_58 = arith.constant 3 : i32
      %add3A_59 = arith.addi %add3A_57, %add3A_58 : i32
      %ge3A = arith.constant 1 : i32
      %ge3A_60 = arith.cmpi sge, %add3A_57, %ge3A : i32
      %convert_element_type3A = arith.extui %ge3A_60 : i1 to i32
      %cond3A = arith.constant 0 : i32
      %cond3A_61 = arith.cmpi ne, %convert_element_type3A, %cond3A : i32
      scf.if %cond3A_61 {
        %dma_wait3A_184 = arith.constant 1 : i32
        %dma_wait3A_185 = arith.constant 0 : i32
        %dma_wait3A_186 = arith.constant 0 : i32
        %dma_wait3A_187 = tpu.memref_slice %arg10[%arg1, %dma_wait3A_184, %dma_wait3A_185, %dma_wait3A_186] : memref<16x2x8x2048xf32, #tpu.memory_space<vmem_shared>> -> memref<1x1x8x2048xf32, #tpu.memory_space<vmem_shared>>
        %dma_wait3A_188 = tpu.memref_squeeze %dma_wait3A_187 : memref<1x1x8x2048xf32, #tpu.memory_space<vmem_shared>> -> memref<8x2048xf32, #tpu.memory_space<vmem_shared>>
        %dma_wait3A_189 = arith.constant 0 : i32
        %dma_wait3A_190 = arith.constant 0 : i32
        %dma_wait3A_191 = tpu.memref_slice %arg10[%arg1, %dma_wait3A_184, %dma_wait3A_189, %dma_wait3A_190] : memref<16x2x8x2048xf32, #tpu.memory_space<vmem_shared>> -> memref<1x1x8x2048xf32, #tpu.memory_space<vmem_shared>>
        %dma_wait3A_192 = tpu.memref_squeeze %dma_wait3A_191 : memref<1x1x8x2048xf32, #tpu.memory_space<vmem_shared>> -> memref<8x2048xf32, #tpu.memory_space<vmem_shared>>
        tpu.wait_dma2 semaphore(%arg18 : memref<!tpu.dma_semaphore, #tpu.memory_space<semaphore_mem>>) src(%arg9 : memref<8x2048xf32, #tpu.memory_space<vmem>>) dst(%dma_wait3A_192 : memref<8x2048xf32, #tpu.memory_space<vmem_shared>>)
        %sub3A = arith.constant 1 : i32
        %sub3A_193 = arith.subi %add3A_57, %sub3A : i32
        %mul3A_194 = arith.constant 8 : i32
        %mul3A_195 = arith.muli %sub3A_193, %mul3A_194 : i32
        %add3A_196 = arith.addi %mul3A_2, %mul3A_195 : i32
        %dma_start3A_197 = arith.constant 1 : i32
        %dma_start3A_198 = arith.constant 0 : i32
        %dma_start3A_199 = tpu.memref_slice %arg4[%add3A_196, %dma_start3A_198] : memref<16384x2048xf32, #tpu.memory_space<hbm>> -> memref<8x2048xf32, #tpu.memory_space<hbm>>
        %dma_start3A_200 = arith.constant 0 : i32
        %dma_start3A_201 = arith.constant 0 : i32
        %dma_start3A_202 = tpu.memref_slice %arg10[%arg1, %dma_start3A_197, %dma_start3A_200, %dma_start3A_201] : memref<16x2x8x2048xf32, #tpu.memory_space<vmem_shared>> -> memref<1x1x8x2048xf32, #tpu.memory_space<vmem_shared>>
        %dma_start3A_203 = tpu.memref_squeeze %dma_start3A_202 : memref<1x1x8x2048xf32, #tpu.memory_space<vmem_shared>> -> memref<8x2048xf32, #tpu.memory_space<vmem_shared>>
        tpu.enqueue_dma source(%dma_start3A_203 : memref<8x2048xf32, #tpu.memory_space<vmem_shared>>) target(%dma_start3A_199 : memref<8x2048xf32, #tpu.memory_space<hbm>>) target_semaphore(%arg20 : memref<!tpu.dma_semaphore, #tpu.memory_space<semaphore_mem>>)
      } else {
      }
      %lt3A = arith.constant 64 : i32
      %lt3A_62 = arith.cmpi slt, %add3A_59, %lt3A : i32
      %convert_element_type3A_63 = arith.extui %lt3A_62 : i1 to i32
      %cond3A_64 = arith.constant 0 : i32
      %cond3A_65 = arith.cmpi ne, %convert_element_type3A_63, %cond3A_64 : i32
      scf.if %cond3A_65 {
        %mul3A_184 = arith.constant 8 : i32
        %mul3A_185 = arith.muli %add3A_59, %mul3A_184 : i32
        %dma_start3A_186 = tpu.memref_slice %arg5[%mul3A_185] : memref<512xi32, #tpu.memory_space<vmem>> -> memref<8xi32, #tpu.memory_space<vmem>>
        %dma_start3A_187 = arith.constant 0 : i32
        %dma_start3A_188 = arith.constant 0 : i32
        %dma_start3A_189 = tpu.memref_slice %arg3[%dma_start3A_187, %dma_start3A_188] : memref<100000x2048xf32, #tpu.memory_space<hbm>> -> memref<100000x2048xf32, #tpu.memory_space<hbm>>
        tpu.enqueue_indirect_dma source(%dma_start3A_189 : memref<100000x2048xf32, #tpu.memory_space<hbm>>) target(%arg9 : memref<8x2048xf32, #tpu.memory_space<vmem>>) offsets(%dma_start3A_186 : memref<8xi32, #tpu.memory_space<vmem>>) semaphore(%arg14 : memref<!tpu.dma_semaphore, #tpu.memory_space<semaphore_mem>>)
      } else {
      }
      %ge3A_66 = arith.constant 2 : i32
      %ge3A_67 = arith.cmpi sge, %add3A_57, %ge3A_66 : i32
      %convert_element_type3A_68 = arith.extui %ge3A_67 : i1 to i32
      %cond3A_69 = arith.constant 0 : i32
      %cond3A_70 = arith.cmpi ne, %convert_element_type3A_68, %cond3A_69 : i32
      scf.if %cond3A_70 {
        %dma_wait3A_184 = arith.constant 0 : i32
        %dma_wait3A_185 = arith.constant 0 : i32
        %dma_wait3A_186 = tpu.memref_slice %arg4[%mul3A_2, %dma_wait3A_185] : memref<16384x2048xf32, #tpu.memory_space<hbm>> -> memref<8x2048xf32, #tpu.memory_space<hbm>>
        %dma_wait3A_187 = arith.constant 0 : i32
        %dma_wait3A_188 = arith.constant 0 : i32
        %dma_wait3A_189 = tpu.memref_slice %arg10[%arg1, %dma_wait3A_184, %dma_wait3A_187, %dma_wait3A_188] : memref<16x2x8x2048xf32, #tpu.memory_space<vmem_shared>> -> memref<1x1x8x2048xf32, #tpu.memory_space<vmem_shared>>
        %dma_wait3A_190 = tpu.memref_squeeze %dma_wait3A_189 : memref<1x1x8x2048xf32, #tpu.memory_space<vmem_shared>> -> memref<8x2048xf32, #tpu.memory_space<vmem_shared>>
        tpu.wait_dma2 semaphore(%arg19 : memref<!tpu.dma_semaphore, #tpu.memory_space<semaphore_mem>>) src(%dma_wait3A_190 : memref<8x2048xf32, #tpu.memory_space<vmem_shared>>) dst(%dma_wait3A_186 : memref<8x2048xf32, #tpu.memory_space<hbm>>)
      } else {
      }
      %dma_wait3A_71 = arith.constant 0 : i32
      %dma_wait3A_72 = tpu.memref_slice %arg5[%dma_wait3A_71] : memref<512xi32, #tpu.memory_space<vmem>> -> memref<8xi32, #tpu.memory_space<vmem>>
      %dma_wait3A_73 = arith.constant 0 : i32
      %dma_wait3A_74 = arith.constant 0 : i32
      %dma_wait3A_75 = tpu.memref_slice %arg3[%dma_wait3A_73, %dma_wait3A_74] : memref<100000x2048xf32, #tpu.memory_space<hbm>> -> memref<100000x2048xf32, #tpu.memory_space<hbm>>
      tpu.wait_indirect_dma semaphore(%arg11 : memref<!tpu.dma_semaphore, #tpu.memory_space<semaphore_mem>>) src(%dma_wait3A_75 : memref<100000x2048xf32, #tpu.memory_space<hbm>>) dst(%arg6 : memref<8x2048xf32, #tpu.memory_space<vmem>>)
      %dma_start3A_76 = arith.constant 0 : i32
      %dma_start3A_77 = arith.constant 0 : i32
      %dma_start3A_78 = arith.constant 0 : i32
      %dma_start3A_79 = tpu.memref_slice %arg10[%arg1, %dma_start3A_76, %dma_start3A_77, %dma_start3A_78] : memref<16x2x8x2048xf32, #tpu.memory_space<vmem_shared>> -> memref<1x1x8x2048xf32, #tpu.memory_space<vmem_shared>>
      %dma_start3A_80 = tpu.memref_squeeze %dma_start3A_79 : memref<1x1x8x2048xf32, #tpu.memory_space<vmem_shared>> -> memref<8x2048xf32, #tpu.memory_space<vmem_shared>>
      %dma_start3A_81 = arith.constant 0 : i32
      %dma_start3A_82 = arith.constant 0 : i32
      %dma_start3A_83 = tpu.memref_slice %arg10[%arg1, %dma_start3A_76, %dma_start3A_81, %dma_start3A_82] : memref<16x2x8x2048xf32, #tpu.memory_space<vmem_shared>> -> memref<1x1x8x2048xf32, #tpu.memory_space<vmem_shared>>
      %dma_start3A_84 = tpu.memref_squeeze %dma_start3A_83 : memref<1x1x8x2048xf32, #tpu.memory_space<vmem_shared>> -> memref<8x2048xf32, #tpu.memory_space<vmem_shared>>
      tpu.enqueue_dma source(%arg6 : memref<8x2048xf32, #tpu.memory_space<vmem>>) target(%dma_start3A_84 : memref<8x2048xf32, #tpu.memory_space<vmem_shared>>) target_semaphore(%arg15 : memref<!tpu.dma_semaphore, #tpu.memory_space<semaphore_mem>>)
      %add3A_85 = arith.constant 1 : i32
      %add3A_86 = arith.addi %mul3A_55, %add3A_85 : i32
      %add3A_87 = arith.constant 3 : i32
      %add3A_88 = arith.addi %add3A_86, %add3A_87 : i32
      %ge3A_89 = arith.constant 1 : i32
      %ge3A_90 = arith.cmpi sge, %add3A_86, %ge3A_89 : i32
      %convert_element_type3A_91 = arith.extui %ge3A_90 : i1 to i32
      %cond3A_92 = arith.constant 0 : i32
      %cond3A_93 = arith.cmpi ne, %convert_element_type3A_91, %cond3A_92 : i32
      scf.if %cond3A_93 {
        %dma_wait3A_184 = arith.constant 0 : i32
        %dma_wait3A_185 = arith.constant 0 : i32
        %dma_wait3A_186 = arith.constant 0 : i32
        %dma_wait3A_187 = tpu.memref_slice %arg10[%arg1, %dma_wait3A_184, %dma_wait3A_185, %dma_wait3A_186] : memref<16x2x8x2048xf32, #tpu.memory_space<vmem_shared>> -> memref<1x1x8x2048xf32, #tpu.memory_space<vmem_shared>>
        %dma_wait3A_188 = tpu.memref_squeeze %dma_wait3A_187 : memref<1x1x8x2048xf32, #tpu.memory_space<vmem_shared>> -> memref<8x2048xf32, #tpu.memory_space<vmem_shared>>
        %dma_wait3A_189 = arith.constant 0 : i32
        %dma_wait3A_190 = arith.constant 0 : i32
        %dma_wait3A_191 = tpu.memref_slice %arg10[%arg1, %dma_wait3A_184, %dma_wait3A_189, %dma_wait3A_190] : memref<16x2x8x2048xf32, #tpu.memory_space<vmem_shared>> -> memref<1x1x8x2048xf32, #tpu.memory_space<vmem_shared>>
        %dma_wait3A_192 = tpu.memref_squeeze %dma_wait3A_191 : memref<1x1x8x2048xf32, #tpu.memory_space<vmem_shared>> -> memref<8x2048xf32, #tpu.memory_space<vmem_shared>>
        tpu.wait_dma2 semaphore(%arg15 : memref<!tpu.dma_semaphore, #tpu.memory_space<semaphore_mem>>) src(%arg6 : memref<8x2048xf32, #tpu.memory_space<vmem>>) dst(%dma_wait3A_192 : memref<8x2048xf32, #tpu.memory_space<vmem_shared>>)
        %sub3A = arith.constant 1 : i32
        %sub3A_193 = arith.subi %add3A_86, %sub3A : i32
        %mul3A_194 = arith.constant 8 : i32
        %mul3A_195 = arith.muli %sub3A_193, %mul3A_194 : i32
        %add3A_196 = arith.addi %mul3A_2, %mul3A_195 : i32
        %dma_start3A_197 = arith.constant 0 : i32
        %dma_start3A_198 = arith.constant 0 : i32
        %dma_start3A_199 = tpu.memref_slice %arg4[%add3A_196, %dma_start3A_198] : memref<16384x2048xf32, #tpu.memory_space<hbm>> -> memref<8x2048xf32, #tpu.memory_space<hbm>>
        %dma_start3A_200 = arith.constant 0 : i32
        %dma_start3A_201 = arith.constant 0 : i32
        %dma_start3A_202 = tpu.memref_slice %arg10[%arg1, %dma_start3A_197, %dma_start3A_200, %dma_start3A_201] : memref<16x2x8x2048xf32, #tpu.memory_space<vmem_shared>> -> memref<1x1x8x2048xf32, #tpu.memory_space<vmem_shared>>
        %dma_start3A_203 = tpu.memref_squeeze %dma_start3A_202 : memref<1x1x8x2048xf32, #tpu.memory_space<vmem_shared>> -> memref<8x2048xf32, #tpu.memory_space<vmem_shared>>
        tpu.enqueue_dma source(%dma_start3A_203 : memref<8x2048xf32, #tpu.memory_space<vmem_shared>>) target(%dma_start3A_199 : memref<8x2048xf32, #tpu.memory_space<hbm>>) target_semaphore(%arg19 : memref<!tpu.dma_semaphore, #tpu.memory_space<semaphore_mem>>)
      } else {
      }
      %lt3A_94 = arith.constant 64 : i32
      %lt3A_95 = arith.cmpi slt, %add3A_88, %lt3A_94 : i32
      %convert_element_type3A_96 = arith.extui %lt3A_95 : i1 to i32
      %cond3A_97 = arith.constant 0 : i32
      %cond3A_98 = arith.cmpi ne, %convert_element_type3A_96, %cond3A_97 : i32
      scf.if %cond3A_98 {
        %mul3A_184 = arith.constant 8 : i32
        %mul3A_185 = arith.muli %add3A_88, %mul3A_184 : i32
        %dma_start3A_186 = tpu.memref_slice %arg5[%mul3A_185] : memref<512xi32, #tpu.memory_space<vmem>> -> memref<8xi32, #tpu.memory_space<vmem>>
        %dma_start3A_187 = arith.constant 0 : i32
        %dma_start3A_188 = arith.constant 0 : i32
        %dma_start3A_189 = tpu.memref_slice %arg3[%dma_start3A_187, %dma_start3A_188] : memref<100000x2048xf32, #tpu.memory_space<hbm>> -> memref<100000x2048xf32, #tpu.memory_space<hbm>>
        tpu.enqueue_indirect_dma source(%dma_start3A_189 : memref<100000x2048xf32, #tpu.memory_space<hbm>>) target(%arg6 : memref<8x2048xf32, #tpu.memory_space<vmem>>) offsets(%dma_start3A_186 : memref<8xi32, #tpu.memory_space<vmem>>) semaphore(%arg11 : memref<!tpu.dma_semaphore, #tpu.memory_space<semaphore_mem>>)
      } else {
      }
      %ge3A_99 = arith.constant 2 : i32
      %ge3A_100 = arith.cmpi sge, %add3A_86, %ge3A_99 : i32
      %convert_element_type3A_101 = arith.extui %ge3A_100 : i1 to i32
      %cond3A_102 = arith.constant 0 : i32
      %cond3A_103 = arith.cmpi ne, %convert_element_type3A_101, %cond3A_102 : i32
      scf.if %cond3A_103 {
        %dma_wait3A_184 = arith.constant 1 : i32
        %dma_wait3A_185 = arith.constant 0 : i32
        %dma_wait3A_186 = tpu.memref_slice %arg4[%mul3A_2, %dma_wait3A_185] : memref<16384x2048xf32, #tpu.memory_space<hbm>> -> memref<8x2048xf32, #tpu.memory_space<hbm>>
        %dma_wait3A_187 = arith.constant 0 : i32
        %dma_wait3A_188 = arith.constant 0 : i32
        %dma_wait3A_189 = tpu.memref_slice %arg10[%arg1, %dma_wait3A_184, %dma_wait3A_187, %dma_wait3A_188] : memref<16x2x8x2048xf32, #tpu.memory_space<vmem_shared>> -> memref<1x1x8x2048xf32, #tpu.memory_space<vmem_shared>>
        %dma_wait3A_190 = tpu.memref_squeeze %dma_wait3A_189 : memref<1x1x8x2048xf32, #tpu.memory_space<vmem_shared>> -> memref<8x2048xf32, #tpu.memory_space<vmem_shared>>
        tpu.wait_dma2 semaphore(%arg20 : memref<!tpu.dma_semaphore, #tpu.memory_space<semaphore_mem>>) src(%dma_wait3A_190 : memref<8x2048xf32, #tpu.memory_space<vmem_shared>>) dst(%dma_wait3A_186 : memref<8x2048xf32, #tpu.memory_space<hbm>>)
      } else {
      }
      %dma_wait3A_104 = arith.constant 0 : i32
      %dma_wait3A_105 = tpu.memref_slice %arg5[%dma_wait3A_104] : memref<512xi32, #tpu.memory_space<vmem>> -> memref<8xi32, #tpu.memory_space<vmem>>
      %dma_wait3A_106 = arith.constant 0 : i32
      %dma_wait3A_107 = arith.constant 0 : i32
      %dma_wait3A_108 = tpu.memref_slice %arg3[%dma_wait3A_106, %dma_wait3A_107] : memref<100000x2048xf32, #tpu.memory_space<hbm>> -> memref<100000x2048xf32, #tpu.memory_space<hbm>>
      tpu.wait_indirect_dma semaphore(%arg12 : memref<!tpu.dma_semaphore, #tpu.memory_space<semaphore_mem>>) src(%dma_wait3A_108 : memref<100000x2048xf32, #tpu.memory_space<hbm>>) dst(%arg7 : memref<8x2048xf32, #tpu.memory_space<vmem>>)
      %dma_start3A_109 = arith.constant 1 : i32
      %dma_start3A_110 = arith.constant 0 : i32
      %dma_start3A_111 = arith.constant 0 : i32
      %dma_start3A_112 = tpu.memref_slice %arg10[%arg1, %dma_start3A_109, %dma_start3A_110, %dma_start3A_111] : memref<16x2x8x2048xf32, #tpu.memory_space<vmem_shared>> -> memref<1x1x8x2048xf32, #tpu.memory_space<vmem_shared>>
      %dma_start3A_113 = tpu.memref_squeeze %dma_start3A_112 : memref<1x1x8x2048xf32, #tpu.memory_space<vmem_shared>> -> memref<8x2048xf32, #tpu.memory_space<vmem_shared>>
      %dma_start3A_114 = arith.constant 0 : i32
      %dma_start3A_115 = arith.constant 0 : i32
      %dma_start3A_116 = tpu.memref_slice %arg10[%arg1, %dma_start3A_109, %dma_start3A_114, %dma_start3A_115] : memref<16x2x8x2048xf32, #tpu.memory_space<vmem_shared>> -> memref<1x1x8x2048xf32, #tpu.memory_space<vmem_shared>>
      %dma_start3A_117 = tpu.memref_squeeze %dma_start3A_116 : memref<1x1x8x2048xf32, #tpu.memory_space<vmem_shared>> -> memref<8x2048xf32, #tpu.memory_space<vmem_shared>>
      tpu.enqueue_dma source(%arg7 : memref<8x2048xf32, #tpu.memory_space<vmem>>) target(%dma_start3A_117 : memref<8x2048xf32, #tpu.memory_space<vmem_shared>>) target_semaphore(%arg16 : memref<!tpu.dma_semaphore, #tpu.memory_space<semaphore_mem>>)
      %add3A_118 = arith.constant 2 : i32
      %add3A_119 = arith.addi %mul3A_55, %add3A_118 : i32
      %add3A_120 = arith.constant 3 : i32
      %add3A_121 = arith.addi %add3A_119, %add3A_120 : i32
      %ge3A_122 = arith.constant 1 : i32
      %ge3A_123 = arith.cmpi sge, %add3A_119, %ge3A_122 : i32
      %convert_element_type3A_124 = arith.extui %ge3A_123 : i1 to i32
      %cond3A_125 = arith.constant 0 : i32
      %cond3A_126 = arith.cmpi ne, %convert_element_type3A_124, %cond3A_125 : i32
      scf.if %cond3A_126 {
        %dma_wait3A_184 = arith.constant 1 : i32
        %dma_wait3A_185 = arith.constant 0 : i32
        %dma_wait3A_186 = arith.constant 0 : i32
        %dma_wait3A_187 = tpu.memref_slice %arg10[%arg1, %dma_wait3A_184, %dma_wait3A_185, %dma_wait3A_186] : memref<16x2x8x2048xf32, #tpu.memory_space<vmem_shared>> -> memref<1x1x8x2048xf32, #tpu.memory_space<vmem_shared>>
        %dma_wait3A_188 = tpu.memref_squeeze %dma_wait3A_187 : memref<1x1x8x2048xf32, #tpu.memory_space<vmem_shared>> -> memref<8x2048xf32, #tpu.memory_space<vmem_shared>>
        %dma_wait3A_189 = arith.constant 0 : i32
        %dma_wait3A_190 = arith.constant 0 : i32
        %dma_wait3A_191 = tpu.memref_slice %arg10[%arg1, %dma_wait3A_184, %dma_wait3A_189, %dma_wait3A_190] : memref<16x2x8x2048xf32, #tpu.memory_space<vmem_shared>> -> memref<1x1x8x2048xf32, #tpu.memory_space<vmem_shared>>
        %dma_wait3A_192 = tpu.memref_squeeze %dma_wait3A_191 : memref<1x1x8x2048xf32, #tpu.memory_space<vmem_shared>> -> memref<8x2048xf32, #tpu.memory_space<vmem_shared>>
        tpu.wait_dma2 semaphore(%arg16 : memref<!tpu.dma_semaphore, #tpu.memory_space<semaphore_mem>>) src(%arg7 : memref<8x2048xf32, #tpu.memory_space<vmem>>) dst(%dma_wait3A_192 : memref<8x2048xf32, #tpu.memory_space<vmem_shared>>)
        %sub3A = arith.constant 1 : i32
        %sub3A_193 = arith.subi %add3A_119, %sub3A : i32
        %mul3A_194 = arith.constant 8 : i32
        %mul3A_195 = arith.muli %sub3A_193, %mul3A_194 : i32
        %add3A_196 = arith.addi %mul3A_2, %mul3A_195 : i32
        %dma_start3A_197 = arith.constant 1 : i32
        %dma_start3A_198 = arith.constant 0 : i32
        %dma_start3A_199 = tpu.memref_slice %arg4[%add3A_196, %dma_start3A_198] : memref<16384x2048xf32, #tpu.memory_space<hbm>> -> memref<8x2048xf32, #tpu.memory_space<hbm>>
        %dma_start3A_200 = arith.constant 0 : i32
        %dma_start3A_201 = arith.constant 0 : i32
        %dma_start3A_202 = tpu.memref_slice %arg10[%arg1, %dma_start3A_197, %dma_start3A_200, %dma_start3A_201] : memref<16x2x8x2048xf32, #tpu.memory_space<vmem_shared>> -> memref<1x1x8x2048xf32, #tpu.memory_space<vmem_shared>>
        %dma_start3A_203 = tpu.memref_squeeze %dma_start3A_202 : memref<1x1x8x2048xf32, #tpu.memory_space<vmem_shared>> -> memref<8x2048xf32, #tpu.memory_space<vmem_shared>>
        tpu.enqueue_dma source(%dma_start3A_203 : memref<8x2048xf32, #tpu.memory_space<vmem_shared>>) target(%dma_start3A_199 : memref<8x2048xf32, #tpu.memory_space<hbm>>) target_semaphore(%arg20 : memref<!tpu.dma_semaphore, #tpu.memory_space<semaphore_mem>>)
      } else {
      }
      %lt3A_127 = arith.constant 64 : i32
      %lt3A_128 = arith.cmpi slt, %add3A_121, %lt3A_127 : i32
      %convert_element_type3A_129 = arith.extui %lt3A_128 : i1 to i32
      %cond3A_130 = arith.constant 0 : i32
      %cond3A_131 = arith.cmpi ne, %convert_element_type3A_129, %cond3A_130 : i32
      scf.if %cond3A_131 {
        %mul3A_184 = arith.constant 8 : i32
        %mul3A_185 = arith.muli %add3A_121, %mul3A_184 : i32
        %dma_start3A_186 = tpu.memref_slice %arg5[%mul3A_185] : memref<512xi32, #tpu.memory_space<vmem>> -> memref<8xi32, #tpu.memory_space<vmem>>
        %dma_start3A_187 = arith.constant 0 : i32
        %dma_start3A_188 = arith.constant 0 : i32
        %dma_start3A_189 = tpu.memref_slice %arg3[%dma_start3A_187, %dma_start3A_188] : memref<100000x2048xf32, #tpu.memory_space<hbm>> -> memref<100000x2048xf32, #tpu.memory_space<hbm>>
        tpu.enqueue_indirect_dma source(%dma_start3A_189 : memref<100000x2048xf32, #tpu.memory_space<hbm>>) target(%arg7 : memref<8x2048xf32, #tpu.memory_space<vmem>>) offsets(%dma_start3A_186 : memref<8xi32, #tpu.memory_space<vmem>>) semaphore(%arg12 : memref<!tpu.dma_semaphore, #tpu.memory_space<semaphore_mem>>)
      } else {
      }
      %ge3A_132 = arith.constant 2 : i32
      %ge3A_133 = arith.cmpi sge, %add3A_119, %ge3A_132 : i32
      %convert_element_type3A_134 = arith.extui %ge3A_133 : i1 to i32
      %cond3A_135 = arith.constant 0 : i32
      %cond3A_136 = arith.cmpi ne, %convert_element_type3A_134, %cond3A_135 : i32
      scf.if %cond3A_136 {
        %dma_wait3A_184 = arith.constant 0 : i32
        %dma_wait3A_185 = arith.constant 0 : i32
        %dma_wait3A_186 = tpu.memref_slice %arg4[%mul3A_2, %dma_wait3A_185] : memref<16384x2048xf32, #tpu.memory_space<hbm>> -> memref<8x2048xf32, #tpu.memory_space<hbm>>
        %dma_wait3A_187 = arith.constant 0 : i32
        %dma_wait3A_188 = arith.constant 0 : i32
        %dma_wait3A_189 = tpu.memref_slice %arg10[%arg1, %dma_wait3A_184, %dma_wait3A_187, %dma_wait3A_188] : memref<16x2x8x2048xf32, #tpu.memory_space<vmem_shared>> -> memref<1x1x8x2048xf32, #tpu.memory_space<vmem_shared>>
        %dma_wait3A_190 = tpu.memref_squeeze %dma_wait3A_189 : memref<1x1x8x2048xf32, #tpu.memory_space<vmem_shared>> -> memref<8x2048xf32, #tpu.memory_space<vmem_shared>>
        tpu.wait_dma2 semaphore(%arg19 : memref<!tpu.dma_semaphore, #tpu.memory_space<semaphore_mem>>) src(%dma_wait3A_190 : memref<8x2048xf32, #tpu.memory_space<vmem_shared>>) dst(%dma_wait3A_186 : memref<8x2048xf32, #tpu.memory_space<hbm>>)
      } else {
      }
      %dma_wait3A_137 = arith.constant 0 : i32
      %dma_wait3A_138 = tpu.memref_slice %arg5[%dma_wait3A_137] : memref<512xi32, #tpu.memory_space<vmem>> -> memref<8xi32, #tpu.memory_space<vmem>>
      %dma_wait3A_139 = arith.constant 0 : i32
      %dma_wait3A_140 = arith.constant 0 : i32
      %dma_wait3A_141 = tpu.memref_slice %arg3[%dma_wait3A_139, %dma_wait3A_140] : memref<100000x2048xf32, #tpu.memory_space<hbm>> -> memref<100000x2048xf32, #tpu.memory_space<hbm>>
      tpu.wait_indirect_dma semaphore(%arg13 : memref<!tpu.dma_semaphore, #tpu.memory_space<semaphore_mem>>) src(%dma_wait3A_141 : memref<100000x2048xf32, #tpu.memory_space<hbm>>) dst(%arg8 : memref<8x2048xf32, #tpu.memory_space<vmem>>)
      %dma_start3A_142 = arith.constant 0 : i32
      %dma_start3A_143 = arith.constant 0 : i32
      %dma_start3A_144 = arith.constant 0 : i32
      %dma_start3A_145 = tpu.memref_slice %arg10[%arg1, %dma_start3A_142, %dma_start3A_143, %dma_start3A_144] : memref<16x2x8x2048xf32, #tpu.memory_space<vmem_shared>> -> memref<1x1x8x2048xf32, #tpu.memory_space<vmem_shared>>
      %dma_start3A_146 = tpu.memref_squeeze %dma_start3A_145 : memref<1x1x8x2048xf32, #tpu.memory_space<vmem_shared>> -> memref<8x2048xf32, #tpu.memory_space<vmem_shared>>
      %dma_start3A_147 = arith.constant 0 : i32
      %dma_start3A_148 = arith.constant 0 : i32
      %dma_start3A_149 = tpu.memref_slice %arg10[%arg1, %dma_start3A_142, %dma_start3A_147, %dma_start3A_148] : memref<16x2x8x2048xf32, #tpu.memory_space<vmem_shared>> -> memref<1x1x8x2048xf32, #tpu.memory_space<vmem_shared>>
      %dma_start3A_150 = tpu.memref_squeeze %dma_start3A_149 : memref<1x1x8x2048xf32, #tpu.memory_space<vmem_shared>> -> memref<8x2048xf32, #tpu.memory_space<vmem_shared>>
      tpu.enqueue_dma source(%arg8 : memref<8x2048xf32, #tpu.memory_space<vmem>>) target(%dma_start3A_150 : memref<8x2048xf32, #tpu.memory_space<vmem_shared>>) target_semaphore(%arg17 : memref<!tpu.dma_semaphore, #tpu.memory_space<semaphore_mem>>)
      %add3A_151 = arith.constant 3 : i32
      %add3A_152 = arith.addi %mul3A_55, %add3A_151 : i32
      %add3A_153 = arith.constant 3 : i32
      %add3A_154 = arith.addi %add3A_152, %add3A_153 : i32
      %ge3A_155 = arith.constant 1 : i32
      %ge3A_156 = arith.cmpi sge, %add3A_152, %ge3A_155 : i32
      %convert_element_type3A_157 = arith.extui %ge3A_156 : i1 to i32
      %cond3A_158 = arith.constant 0 : i32
      %cond3A_159 = arith.cmpi ne, %convert_element_type3A_157, %cond3A_158 : i32
      scf.if %cond3A_159 {
        %dma_wait3A_184 = arith.constant 0 : i32
        %dma_wait3A_185 = arith.constant 0 : i32
        %dma_wait3A_186 = arith.constant 0 : i32
        %dma_wait3A_187 = tpu.memref_slice %arg10[%arg1, %dma_wait3A_184, %dma_wait3A_185, %dma_wait3A_186] : memref<16x2x8x2048xf32, #tpu.memory_space<vmem_shared>> -> memref<1x1x8x2048xf32, #tpu.memory_space<vmem_shared>>
        %dma_wait3A_188 = tpu.memref_squeeze %dma_wait3A_187 : memref<1x1x8x2048xf32, #tpu.memory_space<vmem_shared>> -> memref<8x2048xf32, #tpu.memory_space<vmem_shared>>
        %dma_wait3A_189 = arith.constant 0 : i32
        %dma_wait3A_190 = arith.constant 0 : i32
        %dma_wait3A_191 = tpu.memref_slice %arg10[%arg1, %dma_wait3A_184, %dma_wait3A_189, %dma_wait3A_190] : memref<16x2x8x2048xf32, #tpu.memory_space<vmem_shared>> -> memref<1x1x8x2048xf32, #tpu.memory_space<vmem_shared>>
        %dma_wait3A_192 = tpu.memref_squeeze %dma_wait3A_191 : memref<1x1x8x2048xf32, #tpu.memory_space<vmem_shared>> -> memref<8x2048xf32, #tpu.memory_space<vmem_shared>>
        tpu.wait_dma2 semaphore(%arg17 : memref<!tpu.dma_semaphore, #tpu.memory_space<semaphore_mem>>) src(%arg8 : memref<8x2048xf32, #tpu.memory_space<vmem>>) dst(%dma_wait3A_192 : memref<8x2048xf32, #tpu.memory_space<vmem_shared>>)
        %sub3A = arith.constant 1 : i32
        %sub3A_193 = arith.subi %add3A_152, %sub3A : i32
        %mul3A_194 = arith.constant 8 : i32
        %mul3A_195 = arith.muli %sub3A_193, %mul3A_194 : i32
        %add3A_196 = arith.addi %mul3A_2, %mul3A_195 : i32
        %dma_start3A_197 = arith.constant 0 : i32
        %dma_start3A_198 = arith.constant 0 : i32
        %dma_start3A_199 = tpu.memref_slice %arg4[%add3A_196, %dma_start3A_198] : memref<16384x2048xf32, #tpu.memory_space<hbm>> -> memref<8x2048xf32, #tpu.memory_space<hbm>>
        %dma_start3A_200 = arith.constant 0 : i32
        %dma_start3A_201 = arith.constant 0 : i32
        %dma_start3A_202 = tpu.memref_slice %arg10[%arg1, %dma_start3A_197, %dma_start3A_200, %dma_start3A_201] : memref<16x2x8x2048xf32, #tpu.memory_space<vmem_shared>> -> memref<1x1x8x2048xf32, #tpu.memory_space<vmem_shared>>
        %dma_start3A_203 = tpu.memref_squeeze %dma_start3A_202 : memref<1x1x8x2048xf32, #tpu.memory_space<vmem_shared>> -> memref<8x2048xf32, #tpu.memory_space<vmem_shared>>
        tpu.enqueue_dma source(%dma_start3A_203 : memref<8x2048xf32, #tpu.memory_space<vmem_shared>>) target(%dma_start3A_199 : memref<8x2048xf32, #tpu.memory_space<hbm>>) target_semaphore(%arg19 : memref<!tpu.dma_semaphore, #tpu.memory_space<semaphore_mem>>)
      } else {
      }
      %lt3A_160 = arith.constant 64 : i32
      %lt3A_161 = arith.cmpi slt, %add3A_154, %lt3A_160 : i32
      %convert_element_type3A_162 = arith.extui %lt3A_161 : i1 to i32
      %cond3A_163 = arith.constant 0 : i32
      %cond3A_164 = arith.cmpi ne, %convert_element_type3A_162, %cond3A_163 : i32
      scf.if %cond3A_164 {
        %mul3A_184 = arith.constant 8 : i32
        %mul3A_185 = arith.muli %add3A_154, %mul3A_184 : i32
        %dma_start3A_186 = tpu.memref_slice %arg5[%mul3A_185] : memref<512xi32, #tpu.memory_space<vmem>> -> memref<8xi32, #tpu.memory_space<vmem>>
        %dma_start3A_187 = arith.constant 0 : i32
        %dma_start3A_188 = arith.constant 0 : i32
        %dma_start3A_189 = tpu.memref_slice %arg3[%dma_start3A_187, %dma_start3A_188] : memref<100000x2048xf32, #tpu.memory_space<hbm>> -> memref<100000x2048xf32, #tpu.memory_space<hbm>>
        tpu.enqueue_indirect_dma source(%dma_start3A_189 : memref<100000x2048xf32, #tpu.memory_space<hbm>>) target(%arg8 : memref<8x2048xf32, #tpu.memory_space<vmem>>) offsets(%dma_start3A_186 : memref<8xi32, #tpu.memory_space<vmem>>) semaphore(%arg13 : memref<!tpu.dma_semaphore, #tpu.memory_space<semaphore_mem>>)
      } else {
      }
      %ge3A_165 = arith.constant 2 : i32
      %ge3A_166 = arith.cmpi sge, %add3A_152, %ge3A_165 : i32
      %convert_element_type3A_167 = arith.extui %ge3A_166 : i1 to i32
      %cond3A_168 = arith.constant 0 : i32
      %cond3A_169 = arith.cmpi ne, %convert_element_type3A_167, %cond3A_168 : i32
      scf.if %cond3A_169 {
        %dma_wait3A_184 = arith.constant 1 : i32
        %dma_wait3A_185 = arith.constant 0 : i32
        %dma_wait3A_186 = tpu.memref_slice %arg4[%mul3A_2, %dma_wait3A_185] : memref<16384x2048xf32, #tpu.memory_space<hbm>> -> memref<8x2048xf32, #tpu.memory_space<hbm>>
        %dma_wait3A_187 = arith.constant 0 : i32
        %dma_wait3A_188 = arith.constant 0 : i32
        %dma_wait3A_189 = tpu.memref_slice %arg10[%arg1, %dma_wait3A_184, %dma_wait3A_187, %dma_wait3A_188] : memref<16x2x8x2048xf32, #tpu.memory_space<vmem_shared>> -> memref<1x1x8x2048xf32, #tpu.memory_space<vmem_shared>>
        %dma_wait3A_190 = tpu.memref_squeeze %dma_wait3A_189 : memref<1x1x8x2048xf32, #tpu.memory_space<vmem_shared>> -> memref<8x2048xf32, #tpu.memory_space<vmem_shared>>
        tpu.wait_dma2 semaphore(%arg20 : memref<!tpu.dma_semaphore, #tpu.memory_space<semaphore_mem>>) src(%dma_wait3A_190 : memref<8x2048xf32, #tpu.memory_space<vmem_shared>>) dst(%dma_wait3A_186 : memref<8x2048xf32, #tpu.memory_space<hbm>>)
      } else {
      }
      %dma_wait3A_170 = arith.constant 0 : i32
      %dma_wait3A_171 = tpu.memref_slice %arg5[%dma_wait3A_170] : memref<512xi32, #tpu.memory_space<vmem>> -> memref<8xi32, #tpu.memory_space<vmem>>
      %dma_wait3A_172 = arith.constant 0 : i32
      %dma_wait3A_173 = arith.constant 0 : i32
      %dma_wait3A_174 = tpu.memref_slice %arg3[%dma_wait3A_172, %dma_wait3A_173] : memref<100000x2048xf32, #tpu.memory_space<hbm>> -> memref<100000x2048xf32, #tpu.memory_space<hbm>>
      tpu.wait_indirect_dma semaphore(%arg14 : memref<!tpu.dma_semaphore, #tpu.memory_space<semaphore_mem>>) src(%dma_wait3A_174 : memref<100000x2048xf32, #tpu.memory_space<hbm>>) dst(%arg9 : memref<8x2048xf32, #tpu.memory_space<vmem>>)
      %dma_start3A_175 = arith.constant 1 : i32
      %dma_start3A_176 = arith.constant 0 : i32
      %dma_start3A_177 = arith.constant 0 : i32
      %dma_start3A_178 = tpu.memref_slice %arg10[%arg1, %dma_start3A_175, %dma_start3A_176, %dma_start3A_177] : memref<16x2x8x2048xf32, #tpu.memory_space<vmem_shared>> -> memref<1x1x8x2048xf32, #tpu.memory_space<vmem_shared>>
      %dma_start3A_179 = tpu.memref_squeeze %dma_start3A_178 : memref<1x1x8x2048xf32, #tpu.memory_space<vmem_shared>> -> memref<8x2048xf32, #tpu.memory_space<vmem_shared>>
      %dma_start3A_180 = arith.constant 0 : i32
      %dma_start3A_181 = arith.constant 0 : i32
      %dma_start3A_182 = tpu.memref_slice %arg10[%arg1, %dma_start3A_175, %dma_start3A_180, %dma_start3A_181] : memref<16x2x8x2048xf32, #tpu.memory_space<vmem_shared>> -> memref<1x1x8x2048xf32, #tpu.memory_space<vmem_shared>>
      %dma_start3A_183 = tpu.memref_squeeze %dma_start3A_182 : memref<1x1x8x2048xf32, #tpu.memory_space<vmem_shared>> -> memref<8x2048xf32, #tpu.memory_space<vmem_shared>>
      tpu.enqueue_dma source(%arg9 : memref<8x2048xf32, #tpu.memory_space<vmem>>) target(%dma_start3A_183 : memref<8x2048xf32, #tpu.memory_space<vmem_shared>>) target_semaphore(%arg18 : memref<!tpu.dma_semaphore, #tpu.memory_space<semaphore_mem>>)
    }
    %scan3A_21 = arith.constant 16 : i32
    %dma_wait3A = arith.constant 1 : i32
    %dma_wait3A_22 = arith.constant 0 : i32
    %dma_wait3A_23 = arith.constant 0 : i32
    %dma_wait3A_24 = tpu.memref_slice %arg10[%arg1, %dma_wait3A, %dma_wait3A_22, %dma_wait3A_23] : memref<16x2x8x2048xf32, #tpu.memory_space<vmem_shared>> -> memref<1x1x8x2048xf32, #tpu.memory_space<vmem_shared>>
    %dma_wait3A_25 = tpu.memref_squeeze %dma_wait3A_24 : memref<1x1x8x2048xf32, #tpu.memory_space<vmem_shared>> -> memref<8x2048xf32, #tpu.memory_space<vmem_shared>>
    %dma_wait3A_26 = arith.constant 0 : i32
    %dma_wait3A_27 = arith.constant 0 : i32
    %dma_wait3A_28 = tpu.memref_slice %arg10[%arg1, %dma_wait3A, %dma_wait3A_26, %dma_wait3A_27] : memref<16x2x8x2048xf32, #tpu.memory_space<vmem_shared>> -> memref<1x1x8x2048xf32, #tpu.memory_space<vmem_shared>>
    %dma_wait3A_29 = tpu.memref_squeeze %dma_wait3A_28 : memref<1x1x8x2048xf32, #tpu.memory_space<vmem_shared>> -> memref<8x2048xf32, #tpu.memory_space<vmem_shared>>
    tpu.wait_dma2 semaphore(%arg18 : memref<!tpu.dma_semaphore, #tpu.memory_space<semaphore_mem>>) src(%arg9 : memref<8x2048xf32, #tpu.memory_space<vmem>>) dst(%dma_wait3A_29 : memref<8x2048xf32, #tpu.memory_space<vmem_shared>>)
    %add3A_30 = arith.constant 504 : i32
    %add3A_31 = arith.addi %mul3A_2, %add3A_30 : i32
    %dma_start3A_32 = arith.constant 1 : i32
    %dma_start3A_33 = arith.constant 0 : i32
    %dma_start3A_34 = tpu.memref_slice %arg4[%add3A_31, %dma_start3A_33] : memref<16384x2048xf32, #tpu.memory_space<hbm>> -> memref<8x2048xf32, #tpu.memory_space<hbm>>
    %dma_start3A_35 = arith.constant 0 : i32
    %dma_start3A_36 = arith.constant 0 : i32
    %dma_start3A_37 = tpu.memref_slice %arg10[%arg1, %dma_start3A_32, %dma_start3A_35, %dma_start3A_36] : memref<16x2x8x2048xf32, #tpu.memory_space<vmem_shared>> -> memref<1x1x8x2048xf32, #tpu.memory_space<vmem_shared>>
    %dma_start3A_38 = tpu.memref_squeeze %dma_start3A_37 : memref<1x1x8x2048xf32, #tpu.memory_space<vmem_shared>> -> memref<8x2048xf32, #tpu.memory_space<vmem_shared>>
    tpu.enqueue_dma source(%dma_start3A_38 : memref<8x2048xf32, #tpu.memory_space<vmem_shared>>) target(%dma_start3A_34 : memref<8x2048xf32, #tpu.memory_space<hbm>>) target_semaphore(%arg20 : memref<!tpu.dma_semaphore, #tpu.memory_space<semaphore_mem>>)
    %dma_wait3A_39 = arith.constant 0 : i32
    %dma_wait3A_40 = arith.constant 0 : i32
    %dma_wait3A_41 = tpu.memref_slice %arg4[%mul3A_2, %dma_wait3A_40] : memref<16384x2048xf32, #tpu.memory_space<hbm>> -> memref<8x2048xf32, #tpu.memory_space<hbm>>
    %dma_wait3A_42 = arith.constant 0 : i32
    %dma_wait3A_43 = arith.constant 0 : i32
    %dma_wait3A_44 = tpu.memref_slice %arg10[%arg1, %dma_wait3A_39, %dma_wait3A_42, %dma_wait3A_43] : memref<16x2x8x2048xf32, #tpu.memory_space<vmem_shared>> -> memref<1x1x8x2048xf32, #tpu.memory_space<vmem_shared>>
    %dma_wait3A_45 = tpu.memref_squeeze %dma_wait3A_44 : memref<1x1x8x2048xf32, #tpu.memory_space<vmem_shared>> -> memref<8x2048xf32, #tpu.memory_space<vmem_shared>>
    tpu.wait_dma2 semaphore(%arg19 : memref<!tpu.dma_semaphore, #tpu.memory_space<semaphore_mem>>) src(%dma_wait3A_45 : memref<8x2048xf32, #tpu.memory_space<vmem_shared>>) dst(%dma_wait3A_41 : memref<8x2048xf32, #tpu.memory_space<hbm>>)
    %dma_wait3A_46 = arith.constant 1 : i32
    %dma_wait3A_47 = arith.constant 0 : i32
    %dma_wait3A_48 = tpu.memref_slice %arg4[%mul3A_2, %dma_wait3A_47] : memref<16384x2048xf32, #tpu.memory_space<hbm>> -> memref<8x2048xf32, #tpu.memory_space<hbm>>
    %dma_wait3A_49 = arith.constant 0 : i32
    %dma_wait3A_50 = arith.constant 0 : i32
    %dma_wait3A_51 = tpu.memref_slice %arg10[%arg1, %dma_wait3A_46, %dma_wait3A_49, %dma_wait3A_50] : memref<16x2x8x2048xf32, #tpu.memory_space<vmem_shared>> -> memref<1x1x8x2048xf32, #tpu.memory_space<vmem_shared>>
    %dma_wait3A_52 = tpu.memref_squeeze %dma_wait3A_51 : memref<1x1x8x2048xf32, #tpu.memory_space<vmem_shared>> -> memref<8x2048xf32, #tpu.memory_space<vmem_shared>>
    tpu.wait_dma2 semaphore(%arg20 : memref<!tpu.dma_semaphore, #tpu.memory_space<semaphore_mem>>) src(%dma_wait3A_52 : memref<8x2048xf32, #tpu.memory_space<vmem_shared>>) dst(%dma_wait3A_48 : memref<8x2048xf32, #tpu.memory_space<hbm>>)
    return
  }
}

</mosaic_0001>

<sc_bundles>
// kernel: kernel.3.cloned.1.call-start
scs
__scs_entry_jumppad:
0x0: {  	(pc) =	sbr.rel $0x88, $3  }
0x1: {  	(tag) =	ssettag $0x0;
	lr =	simm.s32 $0x1  }
0x2: {  	[smem:$0x3F9F] =	sst lr;
	_ =	strace $0xD0000000  }
0x3: {  	_ = 	snop  }
0x4: {  	_ = 	snop  }
0x5: {  	_ = 	snop  }
0x6: {  	_ = 	snop  }
0x7: {  	_ = 	snop  }
__scs_overlays_trampoline_lowered:
0x8: {  	[smem:$0x3FAE] =	sst s0  }
0x9: {  	[smem:$0x3FAF] =	sst s1  }
0xa: {  	[smem:$0x3FB0] =	sst s2  }
0xb: {  	[smem:$0x3FB1] =	sst s3  }
0xc: {  	[smem:$0x3FB2] =	sst s4  }
0xd: {  	[smem:$0x3FB3] =	sst s5  }
0xe: {  	[smem:$0x3FB4] =	sst s6  }
0xf: {  	[smem:$0x3FB5] =	sst s7  }
0x10: {  	[smem:$0x3FB6] =	sst s8  }
0x11: {  	[smem:$0x3FB7] =	sst s9;
	s0 =	simm.s32 @!p0 $0x0  }
0x12: {  	s1 =	sld [smem:$0x3F9D];
	s0 =	simm.s32 @p0 $0x1  }
0x13: {  	[smem:$0x3FB8] =	sst s0;
	s0 =	simm.s32 @!p1 $0x0  }
0x14: {  	s2 =	sld [smem:$0x3F9C];
	s0 =	simm.s32 @p1 $0x1  }
0x15: {  	[smem:$0x3FB9] =	sst s0;
	s0 =	simm.s32 @!p2 $0x0  }
0x16: {  	s3 =	sld [smem:$0x3FDB];
	s0 =	simm.s32 @p2 $0x1  }
0x17: {  	s4 =	simm.s32 $0x1BF5;
	[smem:$0x3FBB] =	sst s0  }
0x18: {  	s0 =	sld [smem:$0x3F9E];
	_ =	swait.ge [sflag:s4], $0x0  }
0x19: {  	s7 =	sld [smem:$0x3F9F]  }
0x1a: {  	s8 =	sadd.s32 $0xFFFFE003, lr  }
0x1b: {  	s9 =	sadd.s32 $0xFFFFFEF7, lr;
	s5 =	simm.s32 $0xFFFFFFFF;
	p2 =	slt.u32 s8, $0xFFFFF086  }
0x1c: {  	p1 =	slt.u32 s9, $0xF7A;
	s5 =	simm.s32 @!p2 $0x0  }
0x1d: {  	s5 =	simm.s32 @p1 $0x1;
	p0 =	seq.s32 s7, s2  }
0x1e: {  	s7 =	smul.u32 @!p0 $0xF7A, s2;
	p2 =	seq.s32 @!p0 s5, $0x0  }
0x1f: {  	s9 =	smul.u32 $0xF7A, s1;
	s8 =	simm.s32 @!p0 $0x1BF5;
	p2 =	por !p2, p0  }
0x20: {  	[sflag:s8] =	ssyncset.s32 @!p0 $0xFFFFF086;
	s6 =	sadd.s32 @!p0 s3, s7;
	s7 =	simm.s32 @!p0 $0x108  }
0x21: {  	s3 =	sadd.s32 s3, s9;
	s6 =	sadd.s32 @!p0 $0x88, s6;
	s7 =	simm.s32 @p2 $0x1082  }
0x22: {  	[simem:s7], [sflag:s8] =	dma.local @!p0 [hbm:s6], $0xF7A  }
0x23: {  	s9 =	sor.u32 $0xD0000000, s2;
	s6 =	simm.s32 $0x108;
	_ =	swait.ge @!p0 [sflag:s8], $0x0  }
0x24: {  	s3 =	sadd.s32 $0x88, s3;
	s6 =	simm.s32 @!p1 $0x1082;
	[sflag:s4] =	ssyncset.s32 $0xFFFFF086  }
0x25: {  	[simem:s6], [sflag:s4] =	dma.local [hbm:s3], $0xF7A  }
0x26: {  	[smem:$0x3F9F] =	sst s1;
	(tag) =	ssettag s2;
	_ =	strace s9  }
0x27: {  	s1 =	sld [smem:$0x3FAF]  }
0x28: {  	s2 =	sld [smem:$0x3FB0]  }
0x29: {  	s4 =	sld [smem:$0x3FB2]  }
0x2a: {  	p0 =	seq.s32 s5, $0x0;
	s5 =	sld [smem:$0x3FB3]  }
0x2b: {  	s6 =	sld [smem:$0x3FB4]  }
0x2c: {  	s7 =	sld [smem:$0x3FB5]  }
0x2d: {  	s3 =	simm.s32 $0x108;
	s8 =	sld [smem:$0x3FB6]  }
0x2e: {  	s3 =	simm.s32 @!p0 $0x1082;
	s9 =	sld [smem:$0x3FB7]  }
0x2f: {  	lr =	sadd.s32 s0, s3;
	s0 =	sld [smem:$0x3FAE]  }
0x30: {  	s3 =	sld [smem:$0x3FB1]  }
0x31: {  	[smem:$0x3FBA] =	sst s10  }
0x32: {  	s10 =	sld [smem:$0x3FB8];
	_ =	sdelay $0x3  }
0x33: {  	p0 =	seq.s32 s10, $0x1;
	s10 =	sld [smem:$0x3FBA];
	_ =	sdelay $0x3  }
0x34: {  	[smem:$0x3FBA] =	sst s10  }
0x35: {  	s10 =	sld [smem:$0x3FB9];
	_ =	sdelay $0x3  }
0x36: {  	p1 =	seq.s32 s10, $0x1;
	s10 =	sld [smem:$0x3FBA];
	_ =	sdelay $0x3  }
0x37: {  	[smem:$0x3FBA] =	sst s10  }
0x38: {  	s10 =	sld [smem:$0x3FBB]  }
0x39: {  	_ = 	snop;
	(pc) =	sbr.ind lr, $3  }
0x3a: {  	_ = 	snop  }
0x3b: {  	_ = 	snop  }
0x3c: {  	p2 =	seq.s32 s10, $0x1;
	s10 =	sld [smem:$0x3FBA]  }
0x3d: {  	_ =	shalt  }
0x3e: {  	_ =	shalt  }
0x3f: {  	_ =	shalt  }
0x40: {  	_ =	shalt  }
0x41: {  	_ =	shalt  }
0x42: {  	_ =	shalt  }
0x43: {  	_ =	shalt  }
0x44: {  	_ =	shalt  }
0x45: {  	_ =	shalt  }
0x46: {  	_ =	shalt  }
0x47: {  	_ =	shalt  }
0x48: {  	_ =	shalt  }
0x49: {  	_ =	shalt  }
0x4a: {  	_ =	shalt  }
0x4b: {  	_ =	shalt  }
0x4c: {  	_ =	shalt  }
0x4d: {  	_ =	shalt  }
0x4e: {  	_ =	shalt  }
0x4f: {  	_ =	shalt  }
0x50: {  	_ =	shalt  }
0x51: {  	_ =	shalt  }
0x52: {  	_ =	shalt  }
0x53: {  	_ =	shalt  }
0x54: {  	_ =	shalt  }
0x55: {  	_ =	shalt  }
0x56: {  	_ =	shalt  }
0x57: {  	_ =	shalt  }
0x58: {  	_ =	shalt  }
0x59: {  	_ =	shalt  }
0x5a: {  	_ =	shalt  }
0x5b: {  	_ =	shalt  }
0x5c: {  	_ =	shalt  }
0x5d: {  	_ =	shalt  }
0x5e: {  	_ =	shalt  }
0x5f: {  	_ =	shalt  }
0x60: {  	_ =	shalt  }
0x61: {  	_ =	shalt  }
0x62: {  	_ =	shalt  }
0x63: {  	_ =	shalt  }
0x64: {  	_ =	shalt  }
0x65: {  	_ =	shalt  }
0x66: {  	_ =	shalt  }
0x67: {  	_ =	shalt  }
0x68: {  	_ =	shalt  }
0x69: {  	_ =	shalt  }
0x6a: {  	_ =	shalt  }
0x6b: {  	_ =	shalt  }
0x6c: {  	_ =	shalt  }
0x6d: {  	_ =	shalt  }
0x6e: {  	_ =	shalt  }
0x6f: {  	_ =	shalt  }
0x70: {  	_ =	shalt  }
0x71: {  	_ =	shalt  }
0x72: {  	_ =	shalt  }
0x73: {  	_ =	shalt  }
0x74: {  	_ =	shalt  }
0x75: {  	_ =	shalt  }
0x76: {  	_ =	shalt  }
0x77: {  	_ =	shalt  }
0x78: {  	_ =	shalt  }
0x79: {  	_ =	shalt  }
0x7a: {  	_ =	shalt  }
0x7b: {  	_ =	shalt  }
0x7c: {  	_ =	shalt  }
0x7d: {  	_ =	shalt  }
0x7e: {  	_ =	shalt  }
0x7f: {  	_ =	shalt  }
0x80: {  	_ =	shalt  }
0x81: {  	_ =	shalt  }
0x82: {  	_ =	shalt  }
0x83: {  	_ =	shalt  }
0x84: {  	_ =	shalt  }
0x85: {  	_ =	shalt  }
0x86: {  	_ =	shalt  }
0x87: {  	_ =	shalt  }
.Lfunc_end0:
.L_simem_size_0:
called_computation_lowered:
.L_overlay_start_0:
0x88: {  	s2 =	sld [smem:$0x3FD9]  }
0x89: {  	s3 =	sld [smem:$0x3FFE];
	_ =	sdelay $0x1  }
0x8a: {  	s1 =	srdreg.scid  }
0x8b: {  	s0 =	sand.u32 $0x1, s1  }
0x8c: {  	s17 =	sshll.u32 s0, $0xA;
	s2 =	sadd.s32 s3, s2  }
0x8d: {  	s2 =	sadd.s32 s2, s17  }
0x8e: {  	[smem:$0x3FC6] =	sst s2  }
0x8f: {  	_ = 	snop  }
0x90: {  	s2 =	sld [smem:$0x3FC8]  }
0x91: {  	s18 =	sld [smem:$0x3FD0];
	(tm) =	ssettm $0x1  }
0x92: {  	s4 =	sld [smem:$0x3FFB];
	_ =	sdelay $0x3  }
0x93: {  	_ =	strace s4  }
0x94: {  	s4 =	sld [smem:$0x3FFC];
	_ =	sdelay $0x3  }
0x95: {  	_ =	strace s4  }
0x96: {  	s4 =	sld [smem:$0x3FFD];
	_ =	sdelay $0x3  }
0x97: {  	_ =	strace s4  }
0x98: {  	_ =	strace $0x8FFFFFFF  }
0x99: {  	s19 =	sld [smem:$0x3FDB];
	_ =	sdelay $0x1  }
0x9a: {  	s5 =	simm.s32 $_scs_section_size  }
0x9b: {  	s6 =	simm.s32 $_size__tile_overlayer_lowered;
	s7 =	simm.s32 $_tile_overlayer_lowered  }
0x9c: {  	s22 =	simm.s32 $0x1BFF;
	s21 =	sshll.u32 s7, $0x1;
	s4 =	sadd.s32 s5, s19  }
0x9d: {  	s8 =	simm.s32 $0x0;
	s20 =	sshll.u32 s6, $0x1;
	s6 =	sadd.s32 s21, s4  }
0x9e: {  	[timem:s8], [sflag:s22] =	dma.local [hbm:s6], s20  }
0x9f: {  	_ =	swait.ge [sflag:s22], s20  }
0xa0: {  	s5 =	ssub.s32 $0x0, s20;
	[sflag:s22] =	ssyncset.done $0x0  }
0xa1: {  	[sflag:s22] =	ssyncadd.s32 s5;
	_ =	sdelay $0x1  }
0xa2: {  	s23 =	simm.s32 $0x1B8B  }
0xa3: {  	_ =	swait.ge [sflag:s23], $0x1  }
0xa4: {  	[sflag:s23] =	ssyncset.done $0x0  }
0xa5: {  	s25 =	simm.s32 $0x1B8E;
	s24 =	sld [smem:$0x3FFE];
	[sflag:s23] =	ssyncadd.s32 $0xFFFFFFFF  }
0xa6: {  	s26 =	simm.s32 $execute0_lowered;
	[smem:$0x3FD2] =	sst s25  }
0xa7: {  	s6 =	sshll.u32 s26, $0x1;
	_ =	strace $0x80000046;
	[dreg:$0x1] =	wrdreg $0xFFFFFFFF  }
0xa8: {  	s28 =	simm.s32 $_size_execute0_lowered;
	s4 =	sadd.s32 s4, s6;
	[dreg:$0x0] =	wrdreg $0x0  }
0xa9: {  	s6 =	sshll.u32 s28, $0x1;
	[dreg:$0x2] =	wrdreg s4  }
0xaa: {  	[dreg:$0x3] =	wrdreg s6  }
0xab: {  	[dreg:$0x4] =	wrdreg $0xC0  }
0xac: {  	_ =	task [dreg:s8], $0x5FFFF  }
0xad: {  	[dreg:$0x1] =	wrdreg $0xFFFFFFFF  }
0xae: {  	[dreg:$0x0] =	wrdreg $0x60  }
0xaf: {  	[dreg:$0x2] =	wrdreg s24  }
0xb0: {  	[dreg:$0x3] =	wrdreg s2  }
0xb1: {  	[dreg:$0x4] =	wrdreg s18  }
0xb2: {  	[dreg:$0x5] =	wrdreg $0x102000  }
0xb3: {  	[dreg:$0x6] =	wrdreg $0x9  }
0xb4: {  	_ =	task.clear_ibuf [dreg:s8], $0x7FFFF;
	_ =	strace $0x90000046  }
0xb5: {  	s29 =	simm.s32 $0x9;
	_ =	strace $0x80000048  }
0xb6: {  	_ =	swait.ge [sflag:s29], $0x1  }
0xb7: {  	[sflag:s29] =	ssyncadd.s32 $0xFFFFFFFF  }
0xb8: {  	_ =	strace $0x90000048  }
0xb9: {  	_ =	sfence  }
0xba: {  	s30 =	sld [smem:$0x0];
	_ =	sdelay $0x2  }
0xbb: {  	s31 =	sshll.u32 s1, $0xD;
	s1 =	sshrl.u32 s1, $0x2  }
0xbc: {  	s3 =	sand.u32 $0x4000, s31;
	s1 =	sadd.s32 s1, s30  }
0xbd: {  	s0 =	sor.u32 s3, s0;
	s1 =	sshll.u32 s1, $0x11  }
0xbe: {  	s0 =	sor.u32 s1, s0  }
0xbf: {  	s0 =	sadd.s32 $0x8F2B, s0  }
0xc0: {  	[sflag:s0] =	ssyncadd.remote.s32 $0x1  }
0xc1: {  	_ =	sfence.sel $0xFFFF  }
0xc2: {  	[dreg:$0x0] =	wrdreg $0xFFFFFFFF;
	(pc) =	sbr.abs _section_cstart, $3  }
0xc3: {  	[dreg:$0x1] =	wrdreg $0xFFFFFFFF  }
0xc4: {  	_ =	task.clear_ibuf [dreg:s8], $0x2FFFF;
	_ =	strace $0x9FFFFFFF  }
0xc5: {  	(tm) =	ssettm $0x7FFFFFFF  }
tec
execute0_lowered:
.L_overlay_start_1:
0x0: {  	(tag) =	ssettag $0x1  }
0x1: {  	s0 =	rddreg [dreg:$0x0]  }
0x2: {  	s2 =	rddreg [dreg:$0x1]  }
0x3: {  	s4 =	rddreg [dreg:$0x2];
	s3 =	srdreg.scid  }
0x4: {  	s12 =	rddreg [dreg:$0x3];
	s1 =	stileid.u32  }
0x5: {  	s31 =	simm.s32 $0xC200;
	s28 =	simm.s32 $0x1;
	s29 =	simm.s32 $0x5  }
0x6: {  	s30 =	simm.s32 $0x2;
	s17 =	simm.s32 $0x7;
	s18 =	simm.s32 $0xA  }
0x7: {  	s14 =	sand.u32 $0x1, s3;
	s5 =	sshll.u32 s1, $0xA;
	s3 =	simm.s32 $0x0  }
0x8: {  	s8 =	sadd.s32 $0x400, s2;
	s9 =	sadd.s32 $0x500, s2;
	s10 =	sadd.s32 $0x600, s2  }
0x9: {  	s22 =	sshll.u32 s1, $0xF;
	s24 =	sshll.u32 s1, $0x12;
	s1 =	simm.s32 $0x0  }
0xa: {  	s6 =	sshll.u32 s14, $0x9;
	s21 =	ssub.s32 $0x2, s14;
	[smem:$0x7FF] =	sst s3  }
0xb: {  	s12 =	sadd.s32 s22, s12;
	s26 =	sshll.u32 s14, $0x11;
	s14 =	simm.s32 $0x9  }
0xc: {  	s11 =	sor.u32 s6, s5;
	s7 =	sshrl.u32 s21, $0x1;
	_ =	strace $0x80000047  }
0xd: {  	s5 =	sadd.s32 $0x100, s2;
	s6 =	sshrl.u32 s11, $0x3;
	s15 =	ssub.s32 s21, s7  }
0xe: {  	s7 =	sadd.s32 $0x300, s2;
	s13 =	sshll.u32 s11, $0x8;
	s11 =	sadd.s32 $0x700, s2  }
0xf: {  	s0 =	sadd.s32 s6, s0;
	s6 =	sadd.s32 $0x200, s2;
	s25 =	smax.u32 s15, $0x1  }
0x10: {  	s23 =	sadd.s32 s13, s4;
	s0 =	sadd.s32 $0x400, s0;
	[dreg:$0x7] =	wrdreg s25  }
0x11: {  	v0 =	vlaneseq.u32;
	s13 =	sadd.s32 $0x4000, s12;
	[dreg:$0x5] =	wrdreg s0;
	s0 =	sadd.s32 $0x1F800, s23  }
0x12: {  	v1 =	vshrl.u32 v0, $0x3;
	s15 =	simm.s32 $0x3;
	[dreg:$0x6] =	wrdreg s0;
	s0 =	sadd.s32 s24, s4  }
0x13: {  	vm0 =	vmmov $0xffff;
	v0 =	vand.u32 $0x7, v0;
	v1 =	vmul.u32 $0x8, v1;
	s4 =	simm.s32 $0x6;
	s16 =	sadd.s32 s26, s0;
	s26 =	simm.s32 $0x4  }
.LBB2_1:
0x14: {  	[dreg:$0x8] =	wrdreg s1  }
0x15: {  	s0 =	rddreg [dreg:$0x5];
	s25 =	simm.s32 $0xB  }
0x16: {  	[tilespmem:s3], [sflag:$0xB] =	stream.linear.gather [hbm4b:s0+s3], $0x200, $0x38;
	[tilespmem:$0x18200] =	vst v63  }
0x17: {  	_ =	swait.ge [sflag:s25], $0x200  }
0x18: {  	[sflag:s25] =	ssyncset.done $0x0  }
0x19: {  	[sflag:s25] =	ssyncadd.s32 $0xFFFFFE00  }
0x1a: {  	v2 =	vld.msk [tilespmem:$0x0], $0xff;
	_ =	sdelay $0x4  }
0x1b: {  	v3 =	vshll.u32 v2, $0x4  }
0x1c: {  	v2 =	vand.u32 $0x7, v2;
	v3 =	vand.u32 $0xFFFFFF80, v3  }
0x1d: {  	v2 =	vor.u32 v2, v3  }
0x1e: {  	v2 =	vperm.xlane v2, v0;
	_ =	sdelay $0x1  }
0x1f: {  	v2 =	vadd.s32 v1, v2;
	_ =	sdelay $0x3  }
0x20: {  	s1 =	simm.s32 $0x200  }
0x21: {  	[tilespmem:s1], [sflag:$0x1] =	stream.indirect_vreg.gather [hbm4b:s2+s3], $0x80, v2, vm0, $0xb8;
	[tilespmem:$0x18200] =	vst v63  }
0x22: {  	s19 =	simm.s32 $0xA00  }
0x23: {  	[tilespmem:s19], [sflag:$0x1] =	stream.indirect_vreg.gather [hbm4b:s5+s3], $0x80, v2, vm0, $0xb8;
	[tilespmem:$0x18200] =	vst v63  }
0x24: {  	s20 =	simm.s32 $0x1200  }
0x25: {  	[tilespmem:s20], [sflag:$0x1] =	stream.indirect_vreg.gather [hbm4b:s6+s3], $0x80, v2, vm0, $0xb8;
	[tilespmem:$0x18200] =	vst v63  }
0x26: {  	s21 =	simm.s32 $0x1A00  }
0x27: {  	[tilespmem:s21], [sflag:$0x1] =	stream.indirect_vreg.gather [hbm4b:s7+s3], $0x80, v2, vm0, $0xb8;
	[tilespmem:$0x18200] =	vst v63  }
0x28: {  	s22 =	simm.s32 $0x2200  }
0x29: {  	[tilespmem:s22], [sflag:$0x1] =	stream.indirect_vreg.gather [hbm4b:s8+s3], $0x80, v2, vm0, $0xb8;
	[tilespmem:$0x18200] =	vst v63  }
0x2a: {  	s23 =	simm.s32 $0x2A00  }
0x2b: {  	[tilespmem:s23], [sflag:$0x1] =	stream.indirect_vreg.gather [hbm4b:s9+s3], $0x80, v2, vm0, $0xb8;
	[tilespmem:$0x18200] =	vst v63  }
0x2c: {  	s24 =	simm.s32 $0x3200  }
0x2d: {  	[tilespmem:s24], [sflag:$0x1] =	stream.indirect_vreg.gather [hbm4b:s10+s3], $0x80, v2, vm0, $0xb8;
	[tilespmem:$0x18200] =	vst v63  }
0x2e: {  	s25 =	simm.s32 $0x3A00  }
0x2f: {  	[tilespmem:s25], [sflag:$0x1] =	stream.indirect_vreg.gather [hbm4b:s11+s3], $0x80, v2, vm0, $0xb8;
	[tilespmem:$0x18200] =	vst v63  }
0x30: {  	v2 =	vld.msk [tilespmem:$0x8], $0xff;
	_ =	sdelay $0x4  }
0x31: {  	v3 =	vshll.u32 v2, $0x4  }
0x32: {  	v2 =	vand.u32 $0x7, v2;
	v3 =	vand.u32 $0xFFFFFF80, v3  }
0x33: {  	v2 =	vor.u32 v2, v3  }
0x34: {  	v2 =	vperm.xlane v2, v0;
	_ =	sdelay $0x1  }
0x35: {  	v2 =	vadd.s32 v1, v2;
	_ =	sdelay $0x3  }
0x36: {  	s1 =	simm.s32 $0x4200  }
0x37: {  	[tilespmem:s1], [sflag:$0x2] =	stream.indirect_vreg.gather [hbm4b:s2+s3], $0x80, v2, vm0, $0xb8;
	[tilespmem:$0x18200] =	vst v63  }
0x38: {  	s19 =	simm.s32 $0x4A00  }
0x39: {  	[tilespmem:s19], [sflag:$0x2] =	stream.indirect_vreg.gather [hbm4b:s5+s3], $0x80, v2, vm0, $0xb8;
	[tilespmem:$0x18200] =	vst v63  }
0x3a: {  	s20 =	simm.s32 $0x5200  }
0x3b: {  	[tilespmem:s20], [sflag:$0x2] =	stream.indirect_vreg.gather [hbm4b:s6+s3], $0x80, v2, vm0, $0xb8;
	[tilespmem:$0x18200] =	vst v63  }
0x3c: {  	s21 =	simm.s32 $0x5A00  }
0x3d: {  	[tilespmem:s21], [sflag:$0x2] =	stream.indirect_vreg.gather [hbm4b:s7+s3], $0x80, v2, vm0, $0xb8;
	[tilespmem:$0x18200] =	vst v63  }
0x3e: {  	s22 =	simm.s32 $0x6200  }
0x3f: {  	[tilespmem:s22], [sflag:$0x2] =	stream.indirect_vreg.gather [hbm4b:s8+s3], $0x80, v2, vm0, $0xb8;
	[tilespmem:$0x18200] =	vst v63  }
0x40: {  	s23 =	simm.s32 $0x6A00  }
0x41: {  	[tilespmem:s23], [sflag:$0x2] =	stream.indirect_vreg.gather [hbm4b:s9+s3], $0x80, v2, vm0, $0xb8;
	[tilespmem:$0x18200] =	vst v63  }
0x42: {  	s24 =	simm.s32 $0x7200  }
0x43: {  	[tilespmem:s24], [sflag:$0x2] =	stream.indirect_vreg.gather [hbm4b:s10+s3], $0x80, v2, vm0, $0xb8;
	[tilespmem:$0x18200] =	vst v63  }
0x44: {  	s25 =	simm.s32 $0x7A00  }
0x45: {  	[tilespmem:s25], [sflag:$0x2] =	stream.indirect_vreg.gather [hbm4b:s11+s3], $0x80, v2, vm0, $0xb8;
	[tilespmem:$0x18200] =	vst v63  }
0x46: {  	v2 =	vld.msk [tilespmem:$0x10], $0xff;
	_ =	sdelay $0x4  }
0x47: {  	v3 =	vshll.u32 v2, $0x4  }
0x48: {  	v2 =	vand.u32 $0x7, v2;
	v3 =	vand.u32 $0xFFFFFF80, v3  }
0x49: {  	v2 =	vor.u32 v2, v3  }
0x4a: {  	v2 =	vperm.xlane v2, v0;
	_ =	sdelay $0x1  }
0x4b: {  	v2 =	vadd.s32 v1, v2;
	_ =	sdelay $0x3  }
0x4c: {  	s1 =	simm.s32 $0x8200  }
0x4d: {  	[tilespmem:s1], [sflag:$0x3] =	stream.indirect_vreg.gather [hbm4b:s2+s3], $0x80, v2, vm0, $0xb8;
	[tilespmem:$0x18200] =	vst v63  }
0x4e: {  	s19 =	simm.s32 $0x8A00  }
0x4f: {  	[tilespmem:s19], [sflag:$0x3] =	stream.indirect_vreg.gather [hbm4b:s5+s3], $0x80, v2, vm0, $0xb8;
	[tilespmem:$0x18200] =	vst v63  }
0x50: {  	s20 =	simm.s32 $0x9200  }
0x51: {  	[tilespmem:s20], [sflag:$0x3] =	stream.indirect_vreg.gather [hbm4b:s6+s3], $0x80, v2, vm0, $0xb8;
	[tilespmem:$0x18200] =	vst v63  }
0x52: {  	s21 =	simm.s32 $0x9A00  }
0x53: {  	[tilespmem:s21], [sflag:$0x3] =	stream.indirect_vreg.gather [hbm4b:s7+s3], $0x80, v2, vm0, $0xb8;
	[tilespmem:$0x18200] =	vst v63  }
0x54: {  	s22 =	simm.s32 $0xA200  }
0x55: {  	[tilespmem:s22], [sflag:$0x3] =	stream.indirect_vreg.gather [hbm4b:s8+s3], $0x80, v2, vm0, $0xb8;
	[tilespmem:$0x18200] =	vst v63  }
0x56: {  	s23 =	simm.s32 $0xAA00  }
0x57: {  	[tilespmem:s23], [sflag:$0x3] =	stream.indirect_vreg.gather [hbm4b:s9+s3], $0x80, v2, vm0, $0xb8;
	[tilespmem:$0x18200] =	vst v63  }
0x58: {  	s24 =	simm.s32 $0xB200  }
0x59: {  	[tilespmem:s24], [sflag:$0x3] =	stream.indirect_vreg.gather [hbm4b:s10+s3], $0x80, v2, vm0, $0xb8;
	[tilespmem:$0x18200] =	vst v63  }
0x5a: {  	s0 =	simm.s32 $0x0;
	s25 =	simm.s32 $0xBA00;
	s21 =	simm.s32 $0x30  }
0x5b: {  	[tilespmem:s25], [sflag:$0x3] =	stream.indirect_vreg.gather [hbm4b:s11+s3], $0x80, v2, vm0, $0xb8;
	[tilespmem:$0x18200] =	vst v63  }
.LBB2_2:
0x5c: {  	p0 =	seq.s32 s0, $0x0  }
0x5d: {  	s19 =	simm.s32 @!p0 $0x8  }
0x5e: {  	_ =	swait.ge @!p0 [sflag:s19], $0x4000  }
0x5f: {  	s1 =	stileid.u32;
	[sflag:s19] =	ssyncset.done @!p0 $0x0  }
0x60: {  	s20 =	sshll.u32 @!p0 s1, $0x6;
	[sflag:s19] =	ssyncadd.s32 @!p0 $0xFFFFC000;
	s19 =	sadd.s32 @!p0 s0, s16  }
0x61: {  	s22 =	sshrl.u32 @!p0 s13, $0x3;
	s20 =	sor.u32 @!p0 $0x1C0A, s20;
	s19 =	sadd.s32 @!p0 $0xFFFFF800, s19  }
0x62: {  	[hbm:s19], [sflag:s20] =	dma.local @!p0 [spmem:s22], $0x800  }
0x63: {  	v2 =	vld.msk [tilespmem:s21+$0xFFFFFFE8], $0xff;
	_ =	sdelay $0x4  }
0x64: {  	v3 =	vshll.u32 v2, $0x4  }
0x65: {  	v2 =	vand.u32 $0x7, v2;
	v3 =	vand.u32 $0xFFFFFF80, v3  }
0x66: {  	v2 =	vor.u32 v2, v3  }
0x67: {  	v2 =	vperm.xlane v2, v0;
	_ =	sdelay $0x1  }
0x68: {  	v2 =	vadd.s32 v1, v2;
	_ =	sdelay $0x4  }
0x69: {  	[tilespmem:s31], [sflag:$0x4] =	stream.indirect_vreg.gather [hbm4b:s2+s3], $0x80, v2, vm0, $0xb8;
	[tilespmem:$0x18200] =	vst v63  }
0x6a: {  	s22 =	simm.s32 $0xCA00  }
0x6b: {  	[tilespmem:s22], [sflag:$0x4] =	stream.indirect_vreg.gather [hbm4b:s5+s3], $0x80, v2, vm0, $0xb8;
	[tilespmem:$0x18200] =	vst v63  }
0x6c: {  	s23 =	simm.s32 $0xD200  }
0x6d: {  	[tilespmem:s23], [sflag:$0x4] =	stream.indirect_vreg.gather [hbm4b:s6+s3], $0x80, v2, vm0, $0xb8;
	[tilespmem:$0x18200] =	vst v63  }
0x6e: {  	s24 =	simm.s32 $0xDA00  }
0x6f: {  	[tilespmem:s24], [sflag:$0x4] =	stream.indirect_vreg.gather [hbm4b:s7+s3], $0x80, v2, vm0, $0xb8;
	[tilespmem:$0x18200] =	vst v63  }
0x70: {  	s25 =	simm.s32 $0xE200  }
0x71: {  	[tilespmem:s25], [sflag:$0x4] =	stream.indirect_vreg.gather [hbm4b:s8+s3], $0x80, v2, vm0, $0xb8;
	[tilespmem:$0x18200] =	vst v63  }
0x72: {  	s20 =	simm.s32 $0xEA00  }
0x73: {  	[tilespmem:s20], [sflag:$0x4] =	stream.indirect_vreg.gather [hbm4b:s9+s3], $0x80, v2, vm0, $0xb8;
	[tilespmem:$0x18200] =	vst v63  }
0x74: {  	s22 =	simm.s32 $0xF200  }
0x75: {  	[tilespmem:s22], [sflag:$0x4] =	stream.indirect_vreg.gather [hbm4b:s10+s3], $0x80, v2, vm0, $0xb8;
	[tilespmem:$0x18200] =	vst v63  }
0x76: {  	s19 =	simm.s32 @!p0 $0x9;
	s23 =	simm.s32 $0xFA00  }
0x77: {  	[tilespmem:s23], [sflag:$0x4] =	stream.indirect_vreg.gather [hbm4b:s11+s3], $0x80, v2, vm0, $0xb8;
	[tilespmem:$0x18200] =	vst v63  }
0x78: {  	_ =	swait.ge @!p0 [sflag:s19], $0x800  }
0x79: {  	[sflag:s19] =	ssyncset.done @!p0 $0x0  }
0x7a: {  	[sflag:s19] =	ssyncadd.s32 @!p0 $0xFFFFF800  }
0x7b: {  	_ =	swait.ge [sflag:s28], $0x4000  }
0x7c: {  	[sflag:s28] =	ssyncset.done $0x0  }
0x7d: {  	s24 =	simm.s32 $0x200;
	[sflag:s28] =	ssyncadd.s32 $0xFFFFC000  }
0x7e: {  	[spmem:s12] =	stream.linear.scatter [tilespmem:s24], [sflag:$0x5], $0x4000, $0x38;
	[tilespmem:$0x18200] =	vst v63  }
0x7f: {  	s22 =	sadd.s32 s0, s16;
	_ =	swait.ge [sflag:s29], $0x4000  }
0x80: {  	s23 =	sshrl.u32 s12, $0x3;
	s24 =	sshll.u32 s1, $0x6;
	[sflag:s29] =	ssyncset.done $0x0  }
0x81: {  	p0 =	seq.s32 s0, $0x1E000;
	s20 =	sor.u32 $0x1C09, s24;
	[sflag:s29] =	ssyncadd.s32 $0xFFFFC000  }
0x82: {  	[hbm:s22], [sflag:s20] =	dma.local [spmem:s23], $0x800  }
0x83: {  	v2 =	vld.msk @!p0 [tilespmem:s21+$0xFFFFFFF0], $0xff;
	_ =	sdelay $0x4  }
0x84: {  	v3 =	vshll.u32 @!p0 v2, $0x4  }
0x85: {  	v4 =	vlaneseq.u32 @!p0;
	v2 =	vand.u32 @!p0 $0x7, v2;
	v3 =	vand.u32 @!p0 $0xFFFFFF80, v3  }
0x86: {  	v3 =	vor.u32 @!p0 v2, v3;
	v2 =	vand.u32 @!p0 $0x7, v4;
	v4 =	vshrl.u32 @!p0 v4, $0x3  }
0x87: {  	v5 =	vperm.xlane @!p0 v3, v2;
	v3 =	vmul.u32 @!p0 $0x8, v4;
	_ =	sdelay $0x1  }
0x88: {  	v4 =	vadd.s32 @!p0 v3, v5;
	_ =	sdelay $0x3  }
0x89: {  	vm1 =	vmmov @!p0 $0xffff;
	s19 =	simm.s32 @!p0 $0x0;
	s25 =	simm.s32 @!p0 $0x200  }
0x8a: {  	[tilespmem:s25], [sflag:$0x1] =	stream.indirect_vreg.gather @!p0 [hbm4b:s2+s19], $0x80, v4, vm1, $0xb8;
	[tilespmem:$0x18200] =	vst v63  }
0x8b: {  	s25 =	simm.s32 @!p0 $0xA00  }
0x8c: {  	[tilespmem:s25], [sflag:$0x1] =	stream.indirect_vreg.gather @!p0 [hbm4b:s5+s19], $0x80, v4, vm1, $0xb8;
	[tilespmem:$0x18200] =	vst v63  }
0x8d: {  	s25 =	simm.s32 @!p0 $0x1200  }
0x8e: {  	[tilespmem:s25], [sflag:$0x1] =	stream.indirect_vreg.gather @!p0 [hbm4b:s6+s19], $0x80, v4, vm1, $0xb8;
	[tilespmem:$0x18200] =	vst v63  }
0x8f: {  	s25 =	simm.s32 @!p0 $0x1A00  }
0x90: {  	[tilespmem:s25], [sflag:$0x1] =	stream.indirect_vreg.gather @!p0 [hbm4b:s7+s19], $0x80, v4, vm1, $0xb8;
	[tilespmem:$0x18200] =	vst v63  }
0x91: {  	s25 =	simm.s32 @!p0 $0x2200  }
0x92: {  	[tilespmem:s25], [sflag:$0x1] =	stream.indirect_vreg.gather @!p0 [hbm4b:s8+s19], $0x80, v4, vm1, $0xb8;
	[tilespmem:$0x18200] =	vst v63  }
0x93: {  	s25 =	simm.s32 @!p0 $0x2A00  }
0x94: {  	[tilespmem:s25], [sflag:$0x1] =	stream.indirect_vreg.gather @!p0 [hbm4b:s9+s19], $0x80, v4, vm1, $0xb8;
	[tilespmem:$0x18200] =	vst v63  }
0x95: {  	p1 =	seq.s32 @!p0 s0, $0x0;
	s25 =	simm.s32 @!p0 $0x3200  }
0x96: {  	[tilespmem:s25], [sflag:$0x1] =	stream.indirect_vreg.gather @!p0 [hbm4b:s10+s19], $0x80, v4, vm1, $0xb8;
	[tilespmem:$0x18200] =	vst v63  }
0x97: {  	p1 =	por p0, !p1;
	s25 =	simm.s32 @!p0 $0x3A00  }
0x98: {  	[tilespmem:s25], [sflag:$0x1] =	stream.indirect_vreg.gather @!p0 [hbm4b:s11+s19], $0x80, v4, vm1, $0xb8;
	[tilespmem:$0x18200] =	vst v63  }
0x99: {  	_ =	swait.ge @p1 [sflag:s18], $0x800  }
0x9a: {  	[sflag:s18] =	ssyncset.done @p1 $0x0  }
0x9b: {  	[sflag:s18] =	ssyncadd.s32 @p1 $0xFFFFF800  }
0x9c: {  	_ =	swait.ge [sflag:s30], $0x4000  }
0x9d: {  	[sflag:s30] =	ssyncset.done $0x0  }
0x9e: {  	s25 =	simm.s32 $0x4200;
	[sflag:s30] =	ssyncadd.s32 $0xFFFFC000  }
0x9f: {  	[spmem:s13] =	stream.linear.scatter [tilespmem:s25], [sflag:$0x6], $0x4000, $0x38;
	[tilespmem:$0x18200] =	vst v63  }
0xa0: {  	_ =	swait.ge [sflag:s4], $0x4000  }
0xa1: {  	s1 =	sadd.s32 $0x800, s22;
	[sflag:s4] =	ssyncset.done $0x0  }
0xa2: {  	s24 =	sor.u32 $0x1C0A, s24;
	s25 =	sshrl.u32 s13, $0x3;
	[sflag:s4] =	ssyncadd.s32 $0xFFFFC000  }
0xa3: {  	[hbm:s1], [sflag:s24] =	dma.local [spmem:s25], $0x800  }
0xa4: {  	v4 =	vld.msk @!p0 [tilespmem:s21+$0xFFFFFFF8], $0xff;
	_ =	sdelay $0x4  }
0xa5: {  	v5 =	vshll.u32 @!p0 v4, $0x4  }
0xa6: {  	v4 =	vand.u32 @!p0 $0x7, v4;
	v5 =	vand.u32 @!p0 $0xFFFFFF80, v5  }
0xa7: {  	v4 =	vor.u32 @!p0 v4, v5  }
0xa8: {  	v4 =	vperm.xlane @!p0 v4, v2;
	_ =	sdelay $0x1  }
0xa9: {  	v4 =	vadd.s32 @!p0 v3, v4;
	_ =	sdelay $0x3  }
0xaa: {  	s1 =	simm.s32 @!p0 $0x4200  }
0xab: {  	[tilespmem:s1], [sflag:$0x2] =	stream.indirect_vreg.gather @!p0 [hbm4b:s2+s19], $0x80, v4, vm1, $0xb8;
	[tilespmem:$0x18200] =	vst v63  }
0xac: {  	s1 =	simm.s32 @!p0 $0x4A00  }
0xad: {  	[tilespmem:s1], [sflag:$0x2] =	stream.indirect_vreg.gather @!p0 [hbm4b:s5+s19], $0x80, v4, vm1, $0xb8;
	[tilespmem:$0x18200] =	vst v63  }
0xae: {  	s1 =	simm.s32 @!p0 $0x5200  }
0xaf: {  	[tilespmem:s1], [sflag:$0x2] =	stream.indirect_vreg.gather @!p0 [hbm4b:s6+s19], $0x80, v4, vm1, $0xb8;
	[tilespmem:$0x18200] =	vst v63  }
0xb0: {  	s1 =	simm.s32 @!p0 $0x5A00  }
0xb1: {  	[tilespmem:s1], [sflag:$0x2] =	stream.indirect_vreg.gather @!p0 [hbm4b:s7+s19], $0x80, v4, vm1, $0xb8;
	[tilespmem:$0x18200] =	vst v63  }
0xb2: {  	s1 =	simm.s32 @!p0 $0x6200  }
0xb3: {  	[tilespmem:s1], [sflag:$0x2] =	stream.indirect_vreg.gather @!p0 [hbm4b:s8+s19], $0x80, v4, vm1, $0xb8;
	[tilespmem:$0x18200] =	vst v63  }
0xb4: {  	s1 =	simm.s32 @!p0 $0x6A00  }
0xb5: {  	[tilespmem:s1], [sflag:$0x2] =	stream.indirect_vreg.gather @!p0 [hbm4b:s9+s19], $0x80, v4, vm1, $0xb8;
	[tilespmem:$0x18200] =	vst v63  }
0xb6: {  	s1 =	simm.s32 @!p0 $0x7200  }
0xb7: {  	[tilespmem:s1], [sflag:$0x2] =	stream.indirect_vreg.gather @!p0 [hbm4b:s10+s19], $0x80, v4, vm1, $0xb8;
	[tilespmem:$0x18200] =	vst v63  }
0xb8: {  	s1 =	simm.s32 @!p0 $0x7A00  }
0xb9: {  	[tilespmem:s1], [sflag:$0x2] =	stream.indirect_vreg.gather @!p0 [hbm4b:s11+s19], $0x80, v4, vm1, $0xb8;
	[tilespmem:$0x18200] =	vst v63  }
0xba: {  	_ =	swait.ge [sflag:s14], $0x800  }
0xbb: {  	[sflag:s14] =	ssyncset.done $0x0  }
0xbc: {  	[sflag:s14] =	ssyncadd.s32 $0xFFFFF800  }
0xbd: {  	_ =	swait.ge [sflag:s15], $0x4000  }
0xbe: {  	[sflag:s15] =	ssyncset.done $0x0  }
0xbf: {  	s1 =	simm.s32 $0x8200;
	[sflag:s15] =	ssyncadd.s32 $0xFFFFC000  }
0xc0: {  	[spmem:s12] =	stream.linear.scatter [tilespmem:s1], [sflag:$0x7], $0x4000, $0x38;
	[tilespmem:$0x18200] =	vst v63  }
0xc1: {  	_ =	swait.ge [sflag:s17], $0x4000  }
0xc2: {  	[sflag:s17] =	ssyncset.done $0x0  }
0xc3: {  	s22 =	sadd.s32 $0x1000, s22;
	[sflag:s17] =	ssyncadd.s32 $0xFFFFC000  }
0xc4: {  	[hbm:s22], [sflag:s20] =	dma.local [spmem:s23], $0x800  }
0xc5: {  	v4 =	vld.msk @!p0 [tilespmem:s21+$0x0], $0xff;
	_ =	sdelay $0x4  }
0xc6: {  	v5 =	vshll.u32 @!p0 v4, $0x4  }
0xc7: {  	v4 =	vand.u32 @!p0 $0x7, v4;
	v5 =	vand.u32 @!p0 $0xFFFFFF80, v5  }
0xc8: {  	v4 =	vor.u32 @!p0 v4, v5  }
0xc9: {  	v2 =	vperm.xlane @!p0 v4, v2;
	_ =	sdelay $0x1  }
0xca: {  	v2 =	vadd.s32 @!p0 v3, v2;
	_ =	sdelay $0x3  }
0xcb: {  	s1 =	simm.s32 @!p0 $0x8200  }
0xcc: {  	[tilespmem:s1], [sflag:$0x3] =	stream.indirect_vreg.gather @!p0 [hbm4b:s2+s19], $0x80, v2, vm1, $0xb8;
	[tilespmem:$0x18200] =	vst v63  }
0xcd: {  	s1 =	simm.s32 @!p0 $0x8A00  }
0xce: {  	[tilespmem:s1], [sflag:$0x3] =	stream.indirect_vreg.gather @!p0 [hbm4b:s5+s19], $0x80, v2, vm1, $0xb8;
	[tilespmem:$0x18200] =	vst v63  }
0xcf: {  	s1 =	simm.s32 @!p0 $0x9200  }
0xd0: {  	[tilespmem:s1], [sflag:$0x3] =	stream.indirect_vreg.gather @!p0 [hbm4b:s6+s19], $0x80, v2, vm1, $0xb8;
	[tilespmem:$0x18200] =	vst v63  }
0xd1: {  	s1 =	simm.s32 @!p0 $0x9A00  }
0xd2: {  	[tilespmem:s1], [sflag:$0x3] =	stream.indirect_vreg.gather @!p0 [hbm4b:s7+s19], $0x80, v2, vm1, $0xb8;
	[tilespmem:$0x18200] =	vst v63  }
0xd3: {  	s1 =	simm.s32 @!p0 $0xA200  }
0xd4: {  	[tilespmem:s1], [sflag:$0x3] =	stream.indirect_vreg.gather @!p0 [hbm4b:s8+s19], $0x80, v2, vm1, $0xb8;
	[tilespmem:$0x18200] =	vst v63  }
0xd5: {  	s1 =	simm.s32 @!p0 $0xAA00  }
0xd6: {  	[tilespmem:s1], [sflag:$0x3] =	stream.indirect_vreg.gather @!p0 [hbm4b:s9+s19], $0x80, v2, vm1, $0xb8;
	[tilespmem:$0x18200] =	vst v63  }
0xd7: {  	s1 =	simm.s32 @!p0 $0xB200  }
0xd8: {  	[tilespmem:s1], [sflag:$0x3] =	stream.indirect_vreg.gather @!p0 [hbm4b:s10+s19], $0x80, v2, vm1, $0xb8;
	[tilespmem:$0x18200] =	vst v63  }
0xd9: {  	s1 =	simm.s32 @!p0 $0xBA00  }
0xda: {  	[tilespmem:s1], [sflag:$0x3] =	stream.indirect_vreg.gather @!p0 [hbm4b:s11+s19], $0x80, v2, vm1, $0xb8;
	[tilespmem:$0x18200] =	vst v63  }
0xdb: {  	s0 =	sadd.s32 $0x2000, s0;
	_ =	swait.ge [sflag:s18], $0x800  }
0xdc: {  	p0 =	sne.s32 s0, $0x20000;
	[sflag:s18] =	ssyncset.done $0x0  }
.Ltmp0:
0xdd: {  	[sflag:s18] =	ssyncadd.s32 $0xFFFFF800;
	(pc) =	sbr.rel @p0 .LBB2_2-.Ltmp0, $4  }
0xde: {  	_ =	swait.ge [sflag:s26], $0x4000  }
0xdf: {  	[sflag:s26] =	ssyncset.done $0x0  }
0xe0: {  	s21 =	sadd.s32 $0x20, s21;
	[sflag:s26] =	ssyncadd.s32 $0xFFFFC000  }
0xe1: {  	[spmem:s13] =	stream.linear.scatter [tilespmem:s31], [sflag:$0x8], $0x4000, $0x38;
	[tilespmem:$0x18200] =	vst v63  }
0xe2: {  	s0 =	simm.s32 $0x8  }
0xe3: {  	_ =	swait.ge [sflag:s0], $0x4000  }
0xe4: {  	[sflag:s0] =	ssyncset.done $0x0  }
0xe5: {  	s23 =	rddreg [dreg:$0x6];
	[sflag:s0] =	ssyncadd.s32 $0xFFFFC000  }
0xe6: {  	[hbm:s23], [sflag:s24] =	dma.local [spmem:s25], $0x800  }
0xe7: {  	_ =	swait.ge [sflag:s14], $0x800  }
0xe8: {  	[sflag:s14] =	ssyncset.done $0x0  }
0xe9: {  	[sflag:s14] =	ssyncadd.s32 $0xFFFFF800  }
0xea: {  	_ =	swait.ge [sflag:s18], $0x800  }
0xeb: {  	s1 =	rddreg [dreg:$0x8]  }
0xec: {  	s25 =	rddreg [dreg:$0x7];
	s1 =	sadd.s32 $0x1, s1  }
0xed: {  	p0 =	sne.s32 s1, s25  }
.Ltmp1:
0xee: {  	_ = 	snop;
	(pc) =	sbr.rel @p0 .LBB2_1-.Ltmp1, $3  }
0xef: {  	_ =	sdelay $0x1  }
0xf0: {  	[sflag:s18] =	ssyncset.done $0x0  }
0xf1: {  	[sflag:s18] =	ssyncadd.s32 $0xFFFFF800  }
0xf2: {  	_ =	sfence.sel $0x180000  }
0xf3: {  	[bflag:$0x0] =	sbarrier.arrive $0xFFFF  }
0xf4: {  	_ =	strace $0x90000047  }
0xf5: {  	s0 =	stileid.u32;
	[bflag:$0x2] =	sbarrier.arrive $0xFFFF  }
0xf6: {  	p0 =	sne.s32 s0, $0x0;
	s0 =	rddreg [dreg:$0x4]  }
0xf7: {  	s0 =	sadd.s32 @!p0 $0x100000, s0  }
0xf8: {  	[sflag:s0] =	ssyncadd.tile.s32 @!p0 $0x1;
	_ =	shalt  }
.Lfunc_end2:
_tile_overlayer_lowered:
.L_overlay_start_2:
0xf9: {  	(tag) =	ssettag $0x2  }
0xfa: {  	s0 =	rddreg [dreg:$0x0];
	s2 =	stileid.u32  }
0xfb: {  	s1 =	rddreg [dreg:$0x1];
	p0 =	sne.s32 s2, $0x0  }
0xfc: {  	s3 =	rddreg [dreg:$0x2];
	[bflag:$0x3] =	sbarrier.arrive $0xFFFF;
	s2 =	simm.s32 @!p0 $0x1C0B  }
0xfd: {  	[timem:s3], [sflag:s2] =	dma.local @!p0 [hbm:s0], s1  }
0xfe: {  	s0 =	simm.s32 @!p0 $0xB  }
0xff: {  	_ =	swait.ge @!p0 [sflag:s0], s1  }
0x100: {  	s1 =	ssub.s32 @!p0 $0x0, s1;
	[sflag:s0] =	ssyncset.done @!p0 $0x0  }
0x101: {  	[sflag:s0] =	ssyncadd.s32 @!p0 s1  }
0x102: {  	[bflag:$0x3] =	sbarrier.arrive $0xFFFF  }
0x103: {  	_ =	shalt  }

</sc_bundles>
